<compile_context>
chip_gen: v7x
topology: tpu7x:2x2x1
jax: 0.10.2.dev20260603
libtpu: 0.0.44.dev20260713+nightly
codegen_flags: <defaults>
</compile_context>

<pallas_src>
import dataclasses
import functools

import jax
import jax.numpy as jnp
from jax import lax
from jax.experimental import pallas as pl
from jax.experimental.pallas import tpu as pltpu
from jax.experimental.pallas import tpu_sc as plsc

VNUM = 10000
E = 320000
D = 128
EPS = 1e-7

NC = 2
NS = 16
L = 16
NW = NC * NS

CHUNK = 128
CPW = 81
ROWS = NW * CPW
EP = ROWS * CHUNK

ZC = 80
NZ = VNUM // ZC

_mesh = plsc.VectorSubcoreMesh(core_axis_name="c", subcore_axis_name="s")

_cp = pltpu.CompilerParams()
if "needs_layout_passes" in pltpu.CompilerParams.__dataclass_fields__:
    _cp = dataclasses.replace(_cp, needs_layout_passes=False)


@functools.partial(
    pl.kernel,
    out_type=jax.ShapeDtypeStruct((NC, VNUM, D), jnp.float32),
    mesh=_mesh,
    scratch_types=[
        pltpu.VMEM_SHARED((VNUM, D), jnp.float32),
        [pltpu.VMEM((CHUNK,), jnp.int32) for _ in range(3)],
        [pltpu.VMEM((CHUNK,), jnp.int32) for _ in range(3)],
        [pltpu.VMEM((CHUNK,), jnp.float32) for _ in range(3)],
        [pltpu.VMEM((CHUNK, D), jnp.float32) for _ in range(3)],
        [pltpu.SemaphoreType.DMA for _ in range(3)],
        [pltpu.SemaphoreType.DMA for _ in range(3)],
        [pltpu.SemaphoreType.DMA for _ in range(3)],
    ],
    compiler_params=_cp,
)
def _sc_graphconv(si_hbm, ti_hbm, w_hbm, vrepr_hbm, out_hbm, acc,
                  sis, tis, ws, gs, sems, ssems, msems):
    c = lax.axis_index("c")
    s = lax.axis_index("s")
    wid = s * NC + c
    r = gs[0]

    @pl.loop(0, ZC)
    def _(i):
        @pl.loop(0, D, step=L)
        def _(j):
            r[i, pl.ds(j, L)] = jnp.zeros((L,), jnp.float32)

    @pl.loop(0, (NZ + NS - 1) // NS)
    def _(k):
        j = k * NS + s

        @pl.when(j < NZ)
        def _():
            pltpu.sync_copy(r.at[pl.ds(0, ZC)],
                            acc.at[pl.ds(j * ZC, ZC)])

    plsc.subcore_barrier()

    base = wid * CPW

    def _issue(slot, row):
        off = row * CHUNK
        pltpu.sync_copy(si_hbm.at[pl.ds(off, CHUNK)], sis[slot])
        dg = pltpu.async_copy(vrepr_hbm.at[sis[slot]], gs[slot], sems[slot])
        dm = [pltpu.async_copy(ti_hbm.at[pl.ds(off, CHUNK)], tis[slot],
                               msems[slot]),
              pltpu.async_copy(w_hbm.at[pl.ds(off, CHUNK)], ws[slot],
                               msems[slot])]
        return dg, dm

    def _scale(slot):
        g = gs[slot]

        @plsc.parallel_loop(0, CHUNK, 1, unroll=4)
        def _(e):
            wv = plsc.load_gather(ws[slot], [jnp.full((L,), e, jnp.int32)])
            for j in range(0, D, L):
                g[e, pl.ds(j, L)] = g[e, pl.ds(j, L)] * wv

    def _scatter(slot):
        pltpu.async_copy(gs[slot], acc.at[tis[slot]], ssems[slot],
                         add=True)

    def _scatter_wait(slot):
        pltpu.make_async_copy(gs[slot], acc.at[tis[slot]],
                              ssems[slot]).wait()

    @pl.loop(0, CPW // 3)
    def _(k):
        row = base + 3 * k
        ds = []
        for j in range(3):
            @pl.when(k > 0)
            def _():
                _scatter_wait(j)

            ds.append(_issue(j, row + j))
        for j in range(3):
            dg, dm = ds[j]
            dg.wait()
            for d in dm:
                d.wait()
            _scale(j)
            _scatter(j)

    for j in range(3):
        _scatter_wait(j)

    plsc.subcore_barrier()

    @pl.loop(0, (NZ + NS - 1) // NS)
    def _(k):
        j = k * NS + s

        @pl.when(j < NZ)
        def _():
            pltpu.sync_copy(acc.at[pl.ds(j * ZC, ZC)],
                            out_hbm.at[c, pl.ds(j * ZC, ZC)])


def _tc_body(p_ref, lw_ref, lb_ref, sw_ref, sb_ref, loc_ref, std_ref):
    ptr = p_ref[0] + p_ref[1]
    dn = (((1,), (1,)), ((), ()))
    loc = lax.dot_general(ptr, lw_ref[...], dn,
                          preferred_element_type=jnp.float32,
                          precision=lax.Precision.HIGHEST)
    loc_ref[...] = loc + lb_ref[...]
    pre = lax.dot_general(ptr, sw_ref[...], dn,
                          preferred_element_type=jnp.float32,
                          precision=lax.Precision.HIGHEST)
    std_ref[...] = jax.nn.softplus(pre + sb_ref[...]) + EPS


_TCB = 1000


def _tc_project(partials, loc_W, loc_b, std_W, std_b):
    grid = (VNUM // _TCB,)
    return pl.pallas_call(
        _tc_body,
        grid=grid,
        in_specs=[
            pl.BlockSpec((NC, _TCB, D), lambda i: (0, i, 0)),
            pl.BlockSpec((D, D), lambda i: (0, 0)),
            pl.BlockSpec((1, D), lambda i: (0, 0)),
            pl.BlockSpec((D, D), lambda i: (0, 0)),
            pl.BlockSpec((1, D), lambda i: (0, 0)),
        ],
        out_specs=[
            pl.BlockSpec((_TCB, D), lambda i: (i, 0)),
            pl.BlockSpec((_TCB, D), lambda i: (i, 0)),
        ],
        out_shape=[
            jax.ShapeDtypeStruct((VNUM, D), jnp.float32),
            jax.ShapeDtypeStruct((VNUM, D), jnp.float32),
        ],
    )(partials, loc_W, loc_b, std_W, std_b)


def kernel(sidx, tidx, enorm, esgn, vrepr, loc_W, loc_b, std_W, std_b):
    pad = EP - E
    spread = jnp.arange(pad, dtype=jnp.int32) % VNUM
    si_p = jnp.concatenate([sidx.astype(jnp.int32), spread])
    ti_p = jnp.concatenate([tidx.astype(jnp.int32), spread])
    w_p = jnp.pad(esgn * enorm, (0, pad))

    partials = _sc_graphconv(si_p, ti_p, w_p, vrepr)
    loc, std = _tc_project(partials, loc_W, loc_b.reshape(1, D),
                           std_W, std_b.reshape(1, D))
    return (loc, std)

# --- scband reference (transcript-rebuilt; emitter-appended) ---
"""Pipeline reference for scband-graph-encoder-88106959110337 (READ-ONLY COPY).

The authoritative reference and input builder live on the scoring server;
editing this copy changes nothing except your own understanding.
"""

import jax, jax.numpy as jnp
import numpy as np

VNUM = 10000
E = 320000
D = 128
EPS = 1e-7

def setup_inputs(seed: int = 0) -> dict:
    key = jax.random.key(seed)
    k1, k2, k3, k4, k5 = jax.random.split(key, 5)
    sidx = jax.random.randint(k1, (E,), 0, VNUM)
    tidx = jax.random.randint(k2, (E,), 0, VNUM)
    enorm = jax.random.uniform(k3, (E,), dtype=jnp.float32)
    esgn = jnp.ones((E,), dtype=jnp.float32)
    # learned parameters
    vrepr = (jax.random.truncated_normal(k4, -2.0, 2.0, (VNUM, D), dtype=jnp.float32) * 0.1)
    kw1, kw2 = jax.random.split(k5)
    loc_W = jax.random.normal(kw1, (D, D), dtype=jnp.float32) * (1.0 / np.sqrt(D))
    loc_b = jnp.zeros((D,), dtype=jnp.float32)
    std_W = jax.random.normal(kw2, (D, D), dtype=jnp.float32) * (1.0 / np.sqrt(D))
    std_b = jnp.zeros((D,), dtype=jnp.float32)
    return {"sidx": sidx, "tidx": tidx, "enorm": enorm, "esgn": esgn,
            "vrepr": vrepr, "loc_W": loc_W, "loc_b": loc_b,
            "std_W": std_W, "std_b": std_b}


def reference(sidx, tidx, enorm, esgn, vrepr, loc_W, loc_b, std_W, std_b):
    # GraphConv: gather source vertex reprs, weight by signed edge norm, scatter-add to targets
    w = esgn * enorm                               # [E]
    msg = jnp.take(vrepr, sidx, axis=0) * w[:, None]  # gather [E, D]
    ptr = jnp.zeros_like(vrepr).at[tidx].add(msg)     # scatter-add [VNUM, D]
    loc = ptr @ loc_W.T + loc_b
    std = jax.nn.softplus(ptr @ std_W.T + std_b) + EPS
    # Normal(loc, std) distribution parameters
    return (loc, std)

if __name__ == "__main__":
    import jax
    _d = setup_inputs()
    print(jax.jit(kernel)(*tuple(_d.values())))

</pallas_src>

<mosaic_0001>
#map = affine_map<(d0, d1) -> (0)>
#map1 = affine_map<(d0, d1) -> (0, 0)>
#map2 = affine_map<(d0, d1) -> (0, 0, 0)>
module attributes {stable_mosaic.version = 14 : i64} {
  func.func @_sc_graphconv(%arg0: i32, %arg1: i32, %arg2: memref<331776xi32, #tpu.memory_space<hbm>>, %arg3: memref<331776xi32, #tpu.memory_space<hbm>>, %arg4: memref<331776xf32, #tpu.memory_space<hbm>>, %arg5: memref<10000x128xf32, #tpu.memory_space<hbm>>, %arg6: memref<2x10000x128xf32, #tpu.memory_space<hbm>>, %arg7: memref<10000x128xf32, #tpu.memory_space<vmem_shared>>, %arg8: memref<128xi32, #tpu.memory_space<vmem>>, %arg9: memref<128xi32, #tpu.memory_space<vmem>>, %arg10: memref<128xi32, #tpu.memory_space<vmem>>, %arg11: memref<128xi32, #tpu.memory_space<vmem>>, %arg12: memref<128xi32, #tpu.memory_space<vmem>>, %arg13: memref<128xi32, #tpu.memory_space<vmem>>, %arg14: memref<128xf32, #tpu.memory_space<vmem>>, %arg15: memref<128xf32, #tpu.memory_space<vmem>>, %arg16: memref<128xf32, #tpu.memory_space<vmem>>, %arg17: memref<128x128xf32, #tpu.memory_space<vmem>>, %arg18: memref<128x128xf32, #tpu.memory_space<vmem>>, %arg19: memref<128x128xf32, #tpu.memory_space<vmem>>, %arg20: memref<!tpu.dma_semaphore, #tpu.memory_space<semaphore_mem>>, %arg21: memref<!tpu.dma_semaphore, #tpu.memory_space<semaphore_mem>>, %arg22: memref<!tpu.dma_semaphore, #tpu.memory_space<semaphore_mem>>, %arg23: memref<!tpu.dma_semaphore, #tpu.memory_space<semaphore_mem>>, %arg24: memref<!tpu.dma_semaphore, #tpu.memory_space<semaphore_mem>>, %arg25: memref<!tpu.dma_semaphore, #tpu.memory_space<semaphore_mem>>, %arg26: memref<!tpu.dma_semaphore, #tpu.memory_space<semaphore_mem>>, %arg27: memref<!tpu.dma_semaphore, #tpu.memory_space<semaphore_mem>>, %arg28: memref<!tpu.dma_semaphore, #tpu.memory_space<semaphore_mem>>) attributes {dimension_semantics = [#tpu.dimension_semantics<core_parallel>, #tpu.dimension_semantics<subcore_parallel>], iteration_bounds = array<i64: 2, 16>, scalar_prefetch = 0 : i64, scratch_operands = 22 : i64, tpu.core_type = #tpu.core_type<sc_vector_subcore>, window_params = [{transform_indices = #map}, {transform_indices = #map}, {transform_indices = #map}, {transform_indices = #map1}, {transform_indices = #map2}]} {
    %mul3A = arith.constant 2 : i32
    %mul3A_0 = arith.muli %arg1, %mul3A : i32
    %add3A = arith.addi %mul3A_0, %arg0 : i32
    %scan3A = arith.constant 0 : i32
    %scan3A_1 = arith.constant 80 : i32
    %scan3A_2 = arith.addi %scan3A, %scan3A_1 : i32
    %scan3A_3 = arith.constant 1 : i32
    scf.for %scan3A_31 = %scan3A to %scan3A_2 step %scan3A_3  : i32 {
      %mul3A_32 = arith.constant 1 : i32
      %mul3A_33 = arith.muli %scan3A_31, %mul3A_32 : i32
      %add3A_34 = arith.constant 0 : i32
      %add3A_35 = arith.addi %add3A_34, %mul3A_33 : i32
      %scan3A_36 = arith.constant 0 : i32
      %scan3A_37 = arith.constant 8 : i32
      %scan3A_38 = arith.addi %scan3A_36, %scan3A_37 : i32
      %scan3A_39 = arith.constant 1 : i32
      scf.for %scan3A_41 = %scan3A_36 to %scan3A_38 step %scan3A_39  : i32 {
        %mul3A_42 = arith.constant 16 : i32
        %mul3A_43 = arith.muli %scan3A_41, %mul3A_42 : i32
        %add3A_44 = arith.constant 0 : i32
        %add3A_45 = arith.addi %add3A_44, %mul3A_43 : i32
        %broadcast_in_dim3A = arith.constant 0.000000e+00 : f32
        %broadcast_in_dim3A_46 = vector.broadcast %broadcast_in_dim3A : f32 to vector<16xf32>
        %swap3A = arith.index_cast %add3A_35 : i32 to index
        %swap3A_47 = arith.index_cast %add3A_45 : i32 to index
        %swap3A_48 = tpu.vector_load %arg17[%swap3A, %swap3A_47] {strides = array<i32>} : memref<128x128xf32, #tpu.memory_space<vmem>>, vector<16xf32>,
        tpu.vector_store %arg17[%swap3A, %swap3A_47], %broadcast_in_dim3A_46 {strides = array<i32>} : memref<128x128xf32, #tpu.memory_space<vmem>>, vector<16xf32>,
      }
      %scan3A_40 = arith.constant 8 : i32
    }
    %scan3A_4 = arith.constant 80 : i32
    %scan3A_5 = arith.constant 0 : i32
    %scan3A_6 = arith.constant 8 : i32
    %scan3A_7 = arith.addi %scan3A_5, %scan3A_6 : i32
    %scan3A_8 = arith.constant 1 : i32
    scf.for %scan3A_31 = %scan3A_5 to %scan3A_7 step %scan3A_8  : i32 {
      %mul3A_32 = arith.constant 1 : i32
      %mul3A_33 = arith.muli %scan3A_31, %mul3A_32 : i32
      %add3A_34 = arith.constant 0 : i32
      %add3A_35 = arith.addi %add3A_34, %mul3A_33 : i32
      %mul3A_36 = arith.constant 16 : i32
      %mul3A_37 = arith.muli %add3A_35, %mul3A_36 : i32
      %add3A_38 = arith.addi %mul3A_37, %arg1 : i32
      %lt3A = arith.constant 125 : i32
      %lt3A_39 = arith.cmpi slt, %add3A_38, %lt3A : i32
      %convert_element_type3A = arith.extui %lt3A_39 : i1 to i32
      %cond3A = arith.constant 0 : i32
      %cond3A_40 = arith.cmpi ne, %convert_element_type3A, %cond3A : i32
      scf.if %cond3A_40 {
        %mul3A_41 = arith.constant 80 : i32
        %mul3A_42 = arith.muli %add3A_38, %mul3A_41 : i32
        "tpu.region"() ({
          %run_scoped3A = tpu.sem_alloc : memref<!tpu.dma_semaphore, #tpu.memory_space<semaphore_mem>>
          %dma_start3A = arith.constant 0 : i32
          %dma_start3A_43 = arith.constant 0 : i32
          %dma_start3A_44 = tpu.memref_slice %arg17[%dma_start3A, %dma_start3A_43] : memref<128x128xf32, #tpu.memory_space<vmem>> -> memref<80x128xf32, #tpu.memory_space<vmem>>
          %dma_start3A_45 = arith.constant 0 : i32
          %dma_start3A_46 = tpu.memref_slice %arg7[%mul3A_42, %dma_start3A_45] : memref<10000x128xf32, #tpu.memory_space<vmem_shared>> -> memref<80x128xf32, #tpu.memory_space<vmem_shared>>
          %dma_start3A_47 = arith.constant 0 : i32
          %dma_start3A_48 = tpu.memref_slice %arg7[%mul3A_42, %dma_start3A_47] : memref<10000x128xf32, #tpu.memory_space<vmem_shared>> -> memref<80x128xf32, #tpu.memory_space<vmem_shared>>
          %dma_start3A_49 = arith.constant 0 : i32
          %dma_start3A_50 = arith.constant 0 : i32
          %dma_start3A_51 = tpu.memref_slice %arg17[%dma_start3A_49, %dma_start3A_50] : memref<128x128xf32, #tpu.memory_space<vmem>> -> memref<80x128xf32, #tpu.memory_space<vmem>>
          tpu.enqueue_dma source(%dma_start3A_51 : memref<80x128xf32, #tpu.memory_space<vmem>>) target(%dma_start3A_48 : memref<80x128xf32, #tpu.memory_space<vmem_shared>>) target_semaphore(%run_scoped3A : memref<!tpu.dma_semaphore, #tpu.memory_space<semaphore_mem>>)
          %dma_wait3A_52 = arith.constant 0 : i32
          %dma_wait3A_53 = arith.constant 0 : i32
          %dma_wait3A_54 = tpu.memref_slice %arg17[%dma_wait3A_52, %dma_wait3A_53] : memref<128x128xf32, #tpu.memory_space<vmem>> -> memref<80x128xf32, #tpu.memory_space<vmem>>
          %dma_wait3A_55 = arith.constant 0 : i32
          %dma_wait3A_56 = tpu.memref_slice %arg7[%mul3A_42, %dma_wait3A_55] : memref<10000x128xf32, #tpu.memory_space<vmem_shared>> -> memref<80x128xf32, #tpu.memory_space<vmem_shared>>
          %dma_wait3A_57 = arith.constant 0 : i32
          %dma_wait3A_58 = tpu.memref_slice %arg7[%mul3A_42, %dma_wait3A_57] : memref<10000x128xf32, #tpu.memory_space<vmem_shared>> -> memref<80x128xf32, #tpu.memory_space<vmem_shared>>
          %dma_wait3A_59 = arith.constant 0 : i32
          %dma_wait3A_60 = arith.constant 0 : i32
          %dma_wait3A_61 = tpu.memref_slice %arg17[%dma_wait3A_59, %dma_wait3A_60] : memref<128x128xf32, #tpu.memory_space<vmem>> -> memref<80x128xf32, #tpu.memory_space<vmem>>
          tpu.wait_dma2 semaphore(%run_scoped3A : memref<!tpu.dma_semaphore, #tpu.memory_space<semaphore_mem>>) src(%dma_wait3A_61 : memref<80x128xf32, #tpu.memory_space<vmem>>) dst(%dma_wait3A_58 : memref<80x128xf32, #tpu.memory_space<vmem_shared>>)
          tpu.yield
        }) : () -> ()
      } else {
      }
    }
    %scan3A_9 = arith.constant 8 : i32
    %barrier3A = arith.constant 0 : index
    tpu.barrier barrier_id(%barrier3A)
    %mul3A_10 = arith.constant 81 : i32
    %mul3A_11 = arith.muli %add3A, %mul3A_10 : i32
    %scan3A_12 = arith.constant 0 : i32
    %scan3A_13 = arith.constant 27 : i32
    %scan3A_14 = arith.addi %scan3A_12, %scan3A_13 : i32
    %scan3A_15 = arith.constant 1 : i32
    scf.for %scan3A_31 = %scan3A_12 to %scan3A_14 step %scan3A_15  : i32 {
      %mul3A_32 = arith.constant 1 : i32
      %mul3A_33 = arith.muli %scan3A_31, %mul3A_32 : i32
      %add3A_34 = arith.constant 0 : i32
      %add3A_35 = arith.addi %add3A_34, %mul3A_33 : i32
      %mul3A_36 = arith.constant 3 : i32
      %mul3A_37 = arith.muli %mul3A_36, %add3A_35 : i32
      %add3A_38 = arith.addi %mul3A_11, %mul3A_37 : i32
      %gt3A = arith.constant 0 : i32
      %gt3A_39 = arith.cmpi sgt, %add3A_35, %gt3A : i32
      %convert_element_type3A = arith.extui %gt3A_39 : i1 to i32
      %cond3A = arith.constant 0 : i32
      %cond3A_40 = arith.cmpi ne, %convert_element_type3A, %cond3A : i32
      scf.if %cond3A_40 {
        %dma_wait3A_121 = arith.constant 0 : i32
        %dma_wait3A_122 = arith.constant 0 : i32
        %dma_wait3A_123 = tpu.memref_slice %arg7[%dma_wait3A_121, %dma_wait3A_122] : memref<10000x128xf32, #tpu.memory_space<vmem_shared>> -> memref<10000x128xf32, #tpu.memory_space<vmem_shared>>
        tpu.wait_indirect_dma semaphore(%arg23 : memref<!tpu.dma_semaphore, #tpu.memory_space<semaphore_mem>>) src(%arg17 : memref<128x128xf32, #tpu.memory_space<vmem>>) dst(%dma_wait3A_123 : memref<10000x128xf32, #tpu.memory_space<vmem_shared>>)
      } else {
      }
      %add3A_41 = arith.constant 0 : i32
      %add3A_42 = arith.addi %add3A_38, %add3A_41 : i32
      %mul3A_43 = arith.constant 128 : i32
      %mul3A_44 = arith.muli %add3A_42, %mul3A_43 : i32
      "tpu.region"() ({
        %run_scoped3A = tpu.sem_alloc : memref<!tpu.dma_semaphore, #tpu.memory_space<semaphore_mem>>
        %dma_start3A_121 = tpu.memref_slice %arg2[%mul3A_44] : memref<331776xi32, #tpu.memory_space<hbm>> -> memref<128xi32, #tpu.memory_space<hbm>>
        %dma_start3A_122 = tpu.memref_slice %arg2[%mul3A_44] : memref<331776xi32, #tpu.memory_space<hbm>> -> memref<128xi32, #tpu.memory_space<hbm>>
        tpu.enqueue_dma source(%dma_start3A_122 : memref<128xi32, #tpu.memory_space<hbm>>) target(%arg8 : memref<128xi32, #tpu.memory_space<vmem>>) target_semaphore(%run_scoped3A : memref<!tpu.dma_semaphore, #tpu.memory_space<semaphore_mem>>)
        %dma_wait3A_123 = tpu.memref_slice %arg2[%mul3A_44] : memref<331776xi32, #tpu.memory_space<hbm>> -> memref<128xi32, #tpu.memory_space<hbm>>
        %dma_wait3A_124 = tpu.memref_slice %arg2[%mul3A_44] : memref<331776xi32, #tpu.memory_space<hbm>> -> memref<128xi32, #tpu.memory_space<hbm>>
        tpu.wait_dma2 semaphore(%run_scoped3A : memref<!tpu.dma_semaphore, #tpu.memory_space<semaphore_mem>>) src(%dma_wait3A_124 : memref<128xi32, #tpu.memory_space<hbm>>) dst(%arg8 : memref<128xi32, #tpu.memory_space<vmem>>)
        tpu.yield
      }) : () -> ()
      %dma_start3A = arith.constant 0 : i32
      %dma_start3A_45 = arith.constant 0 : i32
      %dma_start3A_46 = tpu.memref_slice %arg5[%dma_start3A, %dma_start3A_45] : memref<10000x128xf32, #tpu.memory_space<hbm>> -> memref<10000x128xf32, #tpu.memory_space<hbm>>
      tpu.enqueue_indirect_dma source(%dma_start3A_46 : memref<10000x128xf32, #tpu.memory_space<hbm>>) target(%arg17 : memref<128x128xf32, #tpu.memory_space<vmem>>) offsets(%arg8 : memref<128xi32, #tpu.memory_space<vmem>>) semaphore(%arg20 : memref<!tpu.dma_semaphore, #tpu.memory_space<semaphore_mem>>)
      %dma_start3A_47 = tpu.memref_slice %arg3[%mul3A_44] : memref<331776xi32, #tpu.memory_space<hbm>> -> memref<128xi32, #tpu.memory_space<hbm>>
      %dma_start3A_48 = tpu.memref_slice %arg3[%mul3A_44] : memref<331776xi32, #tpu.memory_space<hbm>> -> memref<128xi32, #tpu.memory_space<hbm>>
      tpu.enqueue_dma source(%dma_start3A_48 : memref<128xi32, #tpu.memory_space<hbm>>) target(%arg11 : memref<128xi32, #tpu.memory_space<vmem>>) target_semaphore(%arg26 : memref<!tpu.dma_semaphore, #tpu.memory_space<semaphore_mem>>)
      %dma_start3A_49 = tpu.memref_slice %arg4[%mul3A_44] : memref<331776xf32, #tpu.memory_space<hbm>> -> memref<128xf32, #tpu.memory_space<hbm>>
      %dma_start3A_50 = tpu.memref_slice %arg4[%mul3A_44] : memref<331776xf32, #tpu.memory_space<hbm>> -> memref<128xf32, #tpu.memory_space<hbm>>
      tpu.enqueue_dma source(%dma_start3A_50 : memref<128xf32, #tpu.memory_space<hbm>>) target(%arg14 : memref<128xf32, #tpu.memory_space<vmem>>) target_semaphore(%arg26 : memref<!tpu.dma_semaphore, #tpu.memory_space<semaphore_mem>>)
      %gt3A_51 = arith.constant 0 : i32
      %gt3A_52 = arith.cmpi sgt, %add3A_35, %gt3A_51 : i32
      %convert_element_type3A_53 = arith.extui %gt3A_52 : i1 to i32
      %cond3A_54 = arith.constant 0 : i32
      %cond3A_55 = arith.cmpi ne, %convert_element_type3A_53, %cond3A_54 : i32
      scf.if %cond3A_55 {
        %dma_wait3A_121 = arith.constant 0 : i32
        %dma_wait3A_122 = arith.constant 0 : i32
        %dma_wait3A_123 = tpu.memref_slice %arg7[%dma_wait3A_121, %dma_wait3A_122] : memref<10000x128xf32, #tpu.memory_space<vmem_shared>> -> memref<10000x128xf32, #tpu.memory_space<vmem_shared>>
        tpu.wait_indirect_dma semaphore(%arg24 : memref<!tpu.dma_semaphore, #tpu.memory_space<semaphore_mem>>) src(%arg18 : memref<128x128xf32, #tpu.memory_space<vmem>>) dst(%dma_wait3A_123 : memref<10000x128xf32, #tpu.memory_space<vmem_shared>>)
      } else {
      }
      %add3A_56 = arith.constant 1 : i32
      %add3A_57 = arith.addi %add3A_38, %add3A_56 : i32
      %mul3A_58 = arith.constant 128 : i32
      %mul3A_59 = arith.muli %add3A_57, %mul3A_58 : i32
      "tpu.region"() ({
        %run_scoped3A = tpu.sem_alloc : memref<!tpu.dma_semaphore, #tpu.memory_space<semaphore_mem>>
        %dma_start3A_121 = tpu.memref_slice %arg2[%mul3A_59] : memref<331776xi32, #tpu.memory_space<hbm>> -> memref<128xi32, #tpu.memory_space<hbm>>
        %dma_start3A_122 = tpu.memref_slice %arg2[%mul3A_59] : memref<331776xi32, #tpu.memory_space<hbm>> -> memref<128xi32, #tpu.memory_space<hbm>>
        tpu.enqueue_dma source(%dma_start3A_122 : memref<128xi32, #tpu.memory_space<hbm>>) target(%arg9 : memref<128xi32, #tpu.memory_space<vmem>>) target_semaphore(%run_scoped3A : memref<!tpu.dma_semaphore, #tpu.memory_space<semaphore_mem>>)
        %dma_wait3A_123 = tpu.memref_slice %arg2[%mul3A_59] : memref<331776xi32, #tpu.memory_space<hbm>> -> memref<128xi32, #tpu.memory_space<hbm>>
        %dma_wait3A_124 = tpu.memref_slice %arg2[%mul3A_59] : memref<331776xi32, #tpu.memory_space<hbm>> -> memref<128xi32, #tpu.memory_space<hbm>>
        tpu.wait_dma2 semaphore(%run_scoped3A : memref<!tpu.dma_semaphore, #tpu.memory_space<semaphore_mem>>) src(%dma_wait3A_124 : memref<128xi32, #tpu.memory_space<hbm>>) dst(%arg9 : memref<128xi32, #tpu.memory_space<vmem>>)
        tpu.yield
      }) : () -> ()
      %dma_start3A_60 = arith.constant 0 : i32
      %dma_start3A_61 = arith.constant 0 : i32
      %dma_start3A_62 = tpu.memref_slice %arg5[%dma_start3A_60, %dma_start3A_61] : memref<10000x128xf32, #tpu.memory_space<hbm>> -> memref<10000x128xf32, #tpu.memory_space<hbm>>
      tpu.enqueue_indirect_dma source(%dma_start3A_62 : memref<10000x128xf32, #tpu.memory_space<hbm>>) target(%arg18 : memref<128x128xf32, #tpu.memory_space<vmem>>) offsets(%arg9 : memref<128xi32, #tpu.memory_space<vmem>>) semaphore(%arg21 : memref<!tpu.dma_semaphore, #tpu.memory_space<semaphore_mem>>)
      %dma_start3A_63 = tpu.memref_slice %arg3[%mul3A_59] : memref<331776xi32, #tpu.memory_space<hbm>> -> memref<128xi32, #tpu.memory_space<hbm>>
      %dma_start3A_64 = tpu.memref_slice %arg3[%mul3A_59] : memref<331776xi32, #tpu.memory_space<hbm>> -> memref<128xi32, #tpu.memory_space<hbm>>
      tpu.enqueue_dma source(%dma_start3A_64 : memref<128xi32, #tpu.memory_space<hbm>>) target(%arg12 : memref<128xi32, #tpu.memory_space<vmem>>) target_semaphore(%arg27 : memref<!tpu.dma_semaphore, #tpu.memory_space<semaphore_mem>>)
      %dma_start3A_65 = tpu.memref_slice %arg4[%mul3A_59] : memref<331776xf32, #tpu.memory_space<hbm>> -> memref<128xf32, #tpu.memory_space<hbm>>
      %dma_start3A_66 = tpu.memref_slice %arg4[%mul3A_59] : memref<331776xf32, #tpu.memory_space<hbm>> -> memref<128xf32, #tpu.memory_space<hbm>>
      tpu.enqueue_dma source(%dma_start3A_66 : memref<128xf32, #tpu.memory_space<hbm>>) target(%arg15 : memref<128xf32, #tpu.memory_space<vmem>>) target_semaphore(%arg27 : memref<!tpu.dma_semaphore, #tpu.memory_space<semaphore_mem>>)
      %gt3A_67 = arith.constant 0 : i32
      %gt3A_68 = arith.cmpi sgt, %add3A_35, %gt3A_67 : i32
      %convert_element_type3A_69 = arith.extui %gt3A_68 : i1 to i32
      %cond3A_70 = arith.constant 0 : i32
      %cond3A_71 = arith.cmpi ne, %convert_element_type3A_69, %cond3A_70 : i32
      scf.if %cond3A_71 {
        %dma_wait3A_121 = arith.constant 0 : i32
        %dma_wait3A_122 = arith.constant 0 : i32
        %dma_wait3A_123 = tpu.memref_slice %arg7[%dma_wait3A_121, %dma_wait3A_122] : memref<10000x128xf32, #tpu.memory_space<vmem_shared>> -> memref<10000x128xf32, #tpu.memory_space<vmem_shared>>
        tpu.wait_indirect_dma semaphore(%arg25 : memref<!tpu.dma_semaphore, #tpu.memory_space<semaphore_mem>>) src(%arg19 : memref<128x128xf32, #tpu.memory_space<vmem>>) dst(%dma_wait3A_123 : memref<10000x128xf32, #tpu.memory_space<vmem_shared>>)
      } else {
      }
      %add3A_72 = arith.constant 2 : i32
      %add3A_73 = arith.addi %add3A_38, %add3A_72 : i32
      %mul3A_74 = arith.constant 128 : i32
      %mul3A_75 = arith.muli %add3A_73, %mul3A_74 : i32
      "tpu.region"() ({
        %run_scoped3A = tpu.sem_alloc : memref<!tpu.dma_semaphore, #tpu.memory_space<semaphore_mem>>
        %dma_start3A_121 = tpu.memref_slice %arg2[%mul3A_75] : memref<331776xi32, #tpu.memory_space<hbm>> -> memref<128xi32, #tpu.memory_space<hbm>>
        %dma_start3A_122 = tpu.memref_slice %arg2[%mul3A_75] : memref<331776xi32, #tpu.memory_space<hbm>> -> memref<128xi32, #tpu.memory_space<hbm>>
        tpu.enqueue_dma source(%dma_start3A_122 : memref<128xi32, #tpu.memory_space<hbm>>) target(%arg10 : memref<128xi32, #tpu.memory_space<vmem>>) target_semaphore(%run_scoped3A : memref<!tpu.dma_semaphore, #tpu.memory_space<semaphore_mem>>)
        %dma_wait3A_123 = tpu.memref_slice %arg2[%mul3A_75] : memref<331776xi32, #tpu.memory_space<hbm>> -> memref<128xi32, #tpu.memory_space<hbm>>
        %dma_wait3A_124 = tpu.memref_slice %arg2[%mul3A_75] : memref<331776xi32, #tpu.memory_space<hbm>> -> memref<128xi32, #tpu.memory_space<hbm>>
        tpu.wait_dma2 semaphore(%run_scoped3A : memref<!tpu.dma_semaphore, #tpu.memory_space<semaphore_mem>>) src(%dma_wait3A_124 : memref<128xi32, #tpu.memory_space<hbm>>) dst(%arg10 : memref<128xi32, #tpu.memory_space<vmem>>)
        tpu.yield
      }) : () -> ()
      %dma_start3A_76 = arith.constant 0 : i32
      %dma_start3A_77 = arith.constant 0 : i32
      %dma_start3A_78 = tpu.memref_slice %arg5[%dma_start3A_76, %dma_start3A_77] : memref<10000x128xf32, #tpu.memory_space<hbm>> -> memref<10000x128xf32, #tpu.memory_space<hbm>>
      tpu.enqueue_indirect_dma source(%dma_start3A_78 : memref<10000x128xf32, #tpu.memory_space<hbm>>) target(%arg19 : memref<128x128xf32, #tpu.memory_space<vmem>>) offsets(%arg10 : memref<128xi32, #tpu.memory_space<vmem>>) semaphore(%arg22 : memref<!tpu.dma_semaphore, #tpu.memory_space<semaphore_mem>>)
      %dma_start3A_79 = tpu.memref_slice %arg3[%mul3A_75] : memref<331776xi32, #tpu.memory_space<hbm>> -> memref<128xi32, #tpu.memory_space<hbm>>
      %dma_start3A_80 = tpu.memref_slice %arg3[%mul3A_75] : memref<331776xi32, #tpu.memory_space<hbm>> -> memref<128xi32, #tpu.memory_space<hbm>>
      tpu.enqueue_dma source(%dma_start3A_80 : memref<128xi32, #tpu.memory_space<hbm>>) target(%arg13 : memref<128xi32, #tpu.memory_space<vmem>>) target_semaphore(%arg28 : memref<!tpu.dma_semaphore, #tpu.memory_space<semaphore_mem>>)
      %dma_start3A_81 = tpu.memref_slice %arg4[%mul3A_75] : memref<331776xf32, #tpu.memory_space<hbm>> -> memref<128xf32, #tpu.memory_space<hbm>>
      %dma_start3A_82 = tpu.memref_slice %arg4[%mul3A_75] : memref<331776xf32, #tpu.memory_space<hbm>> -> memref<128xf32, #tpu.memory_space<hbm>>
      tpu.enqueue_dma source(%dma_start3A_82 : memref<128xf32, #tpu.memory_space<hbm>>) target(%arg16 : memref<128xf32, #tpu.memory_space<vmem>>) target_semaphore(%arg28 : memref<!tpu.dma_semaphore, #tpu.memory_space<semaphore_mem>>)
      %dma_wait3A_83 = arith.constant 0 : i32
      %dma_wait3A_84 = arith.constant 0 : i32
      %dma_wait3A_85 = tpu.memref_slice %arg5[%dma_wait3A_83, %dma_wait3A_84] : memref<10000x128xf32, #tpu.memory_space<hbm>> -> memref<10000x128xf32, #tpu.memory_space<hbm>>
      tpu.wait_indirect_dma semaphore(%arg20 : memref<!tpu.dma_semaphore, #tpu.memory_space<semaphore_mem>>) src(%dma_wait3A_85 : memref<10000x128xf32, #tpu.memory_space<hbm>>) dst(%arg17 : memref<128x128xf32, #tpu.memory_space<vmem>>)
      %dma_wait3A_86 = tpu.memref_slice %arg3[%mul3A_44] : memref<331776xi32, #tpu.memory_space<hbm>> -> memref<128xi32, #tpu.memory_space<hbm>>
      %dma_wait3A_87 = tpu.memref_slice %arg3[%mul3A_44] : memref<331776xi32, #tpu.memory_space<hbm>> -> memref<128xi32, #tpu.memory_space<hbm>>
      tpu.wait_dma2 semaphore(%arg26 : memref<!tpu.dma_semaphore, #tpu.memory_space<semaphore_mem>>) src(%dma_wait3A_87 : memref<128xi32, #tpu.memory_space<hbm>>) dst(%arg11 : memref<128xi32, #tpu.memory_space<vmem>>)
      %dma_wait3A_88 = tpu.memref_slice %arg4[%mul3A_44] : memref<331776xf32, #tpu.memory_space<hbm>> -> memref<128xf32, #tpu.memory_space<hbm>>
      %dma_wait3A_89 = tpu.memref_slice %arg4[%mul3A_44] : memref<331776xf32, #tpu.memory_space<hbm>> -> memref<128xf32, #tpu.memory_space<hbm>>
      tpu.wait_dma2 semaphore(%arg26 : memref<!tpu.dma_semaphore, #tpu.memory_space<semaphore_mem>>) src(%dma_wait3A_89 : memref<128xf32, #tpu.memory_space<hbm>>) dst(%arg14 : memref<128xf32, #tpu.memory_space<vmem>>)
      %parallel_loop3A = arith.constant 0 : i32
      %parallel_loop3A_90 = arith.constant 128 : i32
      %parallel_loop3A_91 = arith.constant 1 : i32
      scf.for %parallel_loop3A_121 = %parallel_loop3A to %parallel_loop3A_90 step %parallel_loop3A_91  : i32 {
        %parallel_loop3A_122 = vector.broadcast %parallel_loop3A_121 : i32 to vector<16xi32>
        %parallel_loop3A_123 = tpu.vector_load_idx %arg14[%parallel_loop3A_122] : memref<128xf32, #tpu.memory_space<vmem>>[vector<16xi32>], vector<16xf32>,
        %parallel_loop3A_124 = arith.index_cast %parallel_loop3A_121 : i32 to index
        %parallel_loop3A_125 = arith.constant 0 : index
        %parallel_loop3A_126 = tpu.vector_load %arg17[%parallel_loop3A_124, %parallel_loop3A_125] {strides = array<i32>} : memref<128x128xf32, #tpu.memory_space<vmem>>, vector<16xf32>,
        %parallel_loop3A_127 = arith.mulf %parallel_loop3A_126, %parallel_loop3A_123 : vector<16xf32>
        %parallel_loop3A_128 = arith.index_cast %parallel_loop3A_121 : i32 to index
        %parallel_loop3A_129 = arith.constant 0 : index
        %parallel_loop3A_130 = tpu.vector_load %arg17[%parallel_loop3A_128, %parallel_loop3A_129] {strides = array<i32>} : memref<128x128xf32, #tpu.memory_space<vmem>>, vector<16xf32>,
        tpu.vector_store %arg17[%parallel_loop3A_128, %parallel_loop3A_129], %parallel_loop3A_127 {strides = array<i32>} : memref<128x128xf32, #tpu.memory_space<vmem>>, vector<16xf32>,
        %parallel_loop3A_131 = arith.index_cast %parallel_loop3A_121 : i32 to index
        %parallel_loop3A_132 = arith.constant 16 : index
        %parallel_loop3A_133 = tpu.vector_load %arg17[%parallel_loop3A_131, %parallel_loop3A_132] {strides = array<i32>} : memref<128x128xf32, #tpu.memory_space<vmem>>, vector<16xf32>,
        %parallel_loop3A_134 = arith.mulf %parallel_loop3A_133, %parallel_loop3A_123 : vector<16xf32>
        %parallel_loop3A_135 = arith.index_cast %parallel_loop3A_121 : i32 to index
        %parallel_loop3A_136 = arith.constant 16 : index
        %parallel_loop3A_137 = tpu.vector_load %arg17[%parallel_loop3A_135, %parallel_loop3A_136] {strides = array<i32>} : memref<128x128xf32, #tpu.memory_space<vmem>>, vector<16xf32>,
        tpu.vector_store %arg17[%parallel_loop3A_135, %parallel_loop3A_136], %parallel_loop3A_134 {strides = array<i32>} : memref<128x128xf32, #tpu.memory_space<vmem>>, vector<16xf32>,
        %parallel_loop3A_138 = arith.index_cast %parallel_loop3A_121 : i32 to index
        %parallel_loop3A_139 = arith.constant 32 : index
        %parallel_loop3A_140 = tpu.vector_load %arg17[%parallel_loop3A_138, %parallel_loop3A_139] {strides = array<i32>} : memref<128x128xf32, #tpu.memory_space<vmem>>, vector<16xf32>,
        %parallel_loop3A_141 = arith.mulf %parallel_loop3A_140, %parallel_loop3A_123 : vector<16xf32>
        %parallel_loop3A_142 = arith.index_cast %parallel_loop3A_121 : i32 to index
        %parallel_loop3A_143 = arith.constant 32 : index
        %parallel_loop3A_144 = tpu.vector_load %arg17[%parallel_loop3A_142, %parallel_loop3A_143] {strides = array<i32>} : memref<128x128xf32, #tpu.memory_space<vmem>>, vector<16xf32>,
        tpu.vector_store %arg17[%parallel_loop3A_142, %parallel_loop3A_143], %parallel_loop3A_141 {strides = array<i32>} : memref<128x128xf32, #tpu.memory_space<vmem>>, vector<16xf32>,
        %parallel_loop3A_145 = arith.index_cast %parallel_loop3A_121 : i32 to index
        %parallel_loop3A_146 = arith.constant 48 : index
        %parallel_loop3A_147 = tpu.vector_load %arg17[%parallel_loop3A_145, %parallel_loop3A_146] {strides = array<i32>} : memref<128x128xf32, #tpu.memory_space<vmem>>, vector<16xf32>,
        %parallel_loop3A_148 = arith.mulf %parallel_loop3A_147, %parallel_loop3A_123 : vector<16xf32>
        %parallel_loop3A_149 = arith.index_cast %parallel_loop3A_121 : i32 to index
        %parallel_loop3A_150 = arith.constant 48 : index
        %parallel_loop3A_151 = tpu.vector_load %arg17[%parallel_loop3A_149, %parallel_loop3A_150] {strides = array<i32>} : memref<128x128xf32, #tpu.memory_space<vmem>>, vector<16xf32>,
        tpu.vector_store %arg17[%parallel_loop3A_149, %parallel_loop3A_150], %parallel_loop3A_148 {strides = array<i32>} : memref<128x128xf32, #tpu.memory_space<vmem>>, vector<16xf32>,
        %parallel_loop3A_152 = arith.index_cast %parallel_loop3A_121 : i32 to index
        %parallel_loop3A_153 = arith.constant 64 : index
        %parallel_loop3A_154 = tpu.vector_load %arg17[%parallel_loop3A_152, %parallel_loop3A_153] {strides = array<i32>} : memref<128x128xf32, #tpu.memory_space<vmem>>, vector<16xf32>,
        %parallel_loop3A_155 = arith.mulf %parallel_loop3A_154, %parallel_loop3A_123 : vector<16xf32>
        %parallel_loop3A_156 = arith.index_cast %parallel_loop3A_121 : i32 to index
        %parallel_loop3A_157 = arith.constant 64 : index
        %parallel_loop3A_158 = tpu.vector_load %arg17[%parallel_loop3A_156, %parallel_loop3A_157] {strides = array<i32>} : memref<128x128xf32, #tpu.memory_space<vmem>>, vector<16xf32>,
        tpu.vector_store %arg17[%parallel_loop3A_156, %parallel_loop3A_157], %parallel_loop3A_155 {strides = array<i32>} : memref<128x128xf32, #tpu.memory_space<vmem>>, vector<16xf32>,
        %parallel_loop3A_159 = arith.index_cast %parallel_loop3A_121 : i32 to index
        %parallel_loop3A_160 = arith.constant 80 : index
        %parallel_loop3A_161 = tpu.vector_load %arg17[%parallel_loop3A_159, %parallel_loop3A_160] {strides = array<i32>} : memref<128x128xf32, #tpu.memory_space<vmem>>, vector<16xf32>,
        %parallel_loop3A_162 = arith.mulf %parallel_loop3A_161, %parallel_loop3A_123 : vector<16xf32>
        %parallel_loop3A_163 = arith.index_cast %parallel_loop3A_121 : i32 to index
        %parallel_loop3A_164 = arith.constant 80 : index
        %parallel_loop3A_165 = tpu.vector_load %arg17[%parallel_loop3A_163, %parallel_loop3A_164] {strides = array<i32>} : memref<128x128xf32, #tpu.memory_space<vmem>>, vector<16xf32>,
        tpu.vector_store %arg17[%parallel_loop3A_163, %parallel_loop3A_164], %parallel_loop3A_162 {strides = array<i32>} : memref<128x128xf32, #tpu.memory_space<vmem>>, vector<16xf32>,
        %parallel_loop3A_166 = arith.index_cast %parallel_loop3A_121 : i32 to index
        %parallel_loop3A_167 = arith.constant 96 : index
        %parallel_loop3A_168 = tpu.vector_load %arg17[%parallel_loop3A_166, %parallel_loop3A_167] {strides = array<i32>} : memref<128x128xf32, #tpu.memory_space<vmem>>, vector<16xf32>,
        %parallel_loop3A_169 = arith.mulf %parallel_loop3A_168, %parallel_loop3A_123 : vector<16xf32>
        %parallel_loop3A_170 = arith.index_cast %parallel_loop3A_121 : i32 to index
        %parallel_loop3A_171 = arith.constant 96 : index
        %parallel_loop3A_172 = tpu.vector_load %arg17[%parallel_loop3A_170, %parallel_loop3A_171] {strides = array<i32>} : memref<128x128xf32, #tpu.memory_space<vmem>>, vector<16xf32>,
        tpu.vector_store %arg17[%parallel_loop3A_170, %parallel_loop3A_171], %parallel_loop3A_169 {strides = array<i32>} : memref<128x128xf32, #tpu.memory_space<vmem>>, vector<16xf32>,
        %parallel_loop3A_173 = arith.index_cast %parallel_loop3A_121 : i32 to index
        %parallel_loop3A_174 = arith.constant 112 : index
        %parallel_loop3A_175 = tpu.vector_load %arg17[%parallel_loop3A_173, %parallel_loop3A_174] {strides = array<i32>} : memref<128x128xf32, #tpu.memory_space<vmem>>, vector<16xf32>,
        %parallel_loop3A_176 = arith.mulf %parallel_loop3A_175, %parallel_loop3A_123 : vector<16xf32>
        %parallel_loop3A_177 = arith.index_cast %parallel_loop3A_121 : i32 to index
        %parallel_loop3A_178 = arith.constant 112 : index
        %parallel_loop3A_179 = tpu.vector_load %arg17[%parallel_loop3A_177, %parallel_loop3A_178] {strides = array<i32>} : memref<128x128xf32, #tpu.memory_space<vmem>>, vector<16xf32>,
        tpu.vector_store %arg17[%parallel_loop3A_177, %parallel_loop3A_178], %parallel_loop3A_176 {strides = array<i32>} : memref<128x128xf32, #tpu.memory_space<vmem>>, vector<16xf32>,
      } {sc.loop_unroll_factor = 4 : i64, sc.parallel_access}
      %dma_start3A_92 = arith.constant 0 : i32
      %dma_start3A_93 = arith.constant 0 : i32
      %dma_start3A_94 = tpu.memref_slice %arg7[%dma_start3A_92, %dma_start3A_93] : memref<10000x128xf32, #tpu.memory_space<vmem_shared>> -> memref<10000x128xf32, #tpu.memory_space<vmem_shared>>
      tpu.enqueue_indirect_dma source(%arg17 : memref<128x128xf32, #tpu.memory_space<vmem>>) target(%dma_start3A_94 : memref<10000x128xf32, #tpu.memory_space<vmem_shared>>) offsets(%arg11 : memref<128xi32, #tpu.memory_space<vmem>>) semaphore(%arg23 : memref<!tpu.dma_semaphore, #tpu.memory_space<semaphore_mem>>) {add = true}
      %dma_wait3A_95 = arith.constant 0 : i32
      %dma_wait3A_96 = arith.constant 0 : i32
      %dma_wait3A_97 = tpu.memref_slice %arg5[%dma_wait3A_95, %dma_wait3A_96] : memref<10000x128xf32, #tpu.memory_space<hbm>> -> memref<10000x128xf32, #tpu.memory_space<hbm>>
      tpu.wait_indirect_dma semaphore(%arg21 : memref<!tpu.dma_semaphore, #tpu.memory_space<semaphore_mem>>) src(%dma_wait3A_97 : memref<10000x128xf32, #tpu.memory_space<hbm>>) dst(%arg18 : memref<128x128xf32, #tpu.memory_space<vmem>>)
      %dma_wait3A_98 = tpu.memref_slice %arg3[%mul3A_59] : memref<331776xi32, #tpu.memory_space<hbm>> -> memref<128xi32, #tpu.memory_space<hbm>>
      %dma_wait3A_99 = tpu.memref_slice %arg3[%mul3A_59] : memref<331776xi32, #tpu.memory_space<hbm>> -> memref<128xi32, #tpu.memory_space<hbm>>
      tpu.wait_dma2 semaphore(%arg27 : memref<!tpu.dma_semaphore, #tpu.memory_space<semaphore_mem>>) src(%dma_wait3A_99 : memref<128xi32, #tpu.memory_space<hbm>>) dst(%arg12 : memref<128xi32, #tpu.memory_space<vmem>>)
      %dma_wait3A_100 = tpu.memref_slice %arg4[%mul3A_59] : memref<331776xf32, #tpu.memory_space<hbm>> -> memref<128xf32, #tpu.memory_space<hbm>>
      %dma_wait3A_101 = tpu.memref_slice %arg4[%mul3A_59] : memref<331776xf32, #tpu.memory_space<hbm>> -> memref<128xf32, #tpu.memory_space<hbm>>
      tpu.wait_dma2 semaphore(%arg27 : memref<!tpu.dma_semaphore, #tpu.memory_space<semaphore_mem>>) src(%dma_wait3A_101 : memref<128xf32, #tpu.memory_space<hbm>>) dst(%arg15 : memref<128xf32, #tpu.memory_space<vmem>>)
      %parallel_loop3A_102 = arith.constant 0 : i32
      %parallel_loop3A_103 = arith.constant 128 : i32
      %parallel_loop3A_104 = arith.constant 1 : i32
      scf.for %parallel_loop3A_121 = %parallel_loop3A_102 to %parallel_loop3A_103 step %parallel_loop3A_104  : i32 {
        %parallel_loop3A_122 = vector.broadcast %parallel_loop3A_121 : i32 to vector<16xi32>
        %parallel_loop3A_123 = tpu.vector_load_idx %arg15[%parallel_loop3A_122] : memref<128xf32, #tpu.memory_space<vmem>>[vector<16xi32>], vector<16xf32>,
        %parallel_loop3A_124 = arith.index_cast %parallel_loop3A_121 : i32 to index
        %parallel_loop3A_125 = arith.constant 0 : index
        %parallel_loop3A_126 = tpu.vector_load %arg18[%parallel_loop3A_124, %parallel_loop3A_125] {strides = array<i32>} : memref<128x128xf32, #tpu.memory_space<vmem>>, vector<16xf32>,
        %parallel_loop3A_127 = arith.mulf %parallel_loop3A_126, %parallel_loop3A_123 : vector<16xf32>
        %parallel_loop3A_128 = arith.index_cast %parallel_loop3A_121 : i32 to index
        %parallel_loop3A_129 = arith.constant 0 : index
        %parallel_loop3A_130 = tpu.vector_load %arg18[%parallel_loop3A_128, %parallel_loop3A_129] {strides = array<i32>} : memref<128x128xf32, #tpu.memory_space<vmem>>, vector<16xf32>,
        tpu.vector_store %arg18[%parallel_loop3A_128, %parallel_loop3A_129], %parallel_loop3A_127 {strides = array<i32>} : memref<128x128xf32, #tpu.memory_space<vmem>>, vector<16xf32>,
        %parallel_loop3A_131 = arith.index_cast %parallel_loop3A_121 : i32 to index
        %parallel_loop3A_132 = arith.constant 16 : index
        %parallel_loop3A_133 = tpu.vector_load %arg18[%parallel_loop3A_131, %parallel_loop3A_132] {strides = array<i32>} : memref<128x128xf32, #tpu.memory_space<vmem>>, vector<16xf32>,
        %parallel_loop3A_134 = arith.mulf %parallel_loop3A_133, %parallel_loop3A_123 : vector<16xf32>
        %parallel_loop3A_135 = arith.index_cast %parallel_loop3A_121 : i32 to index
        %parallel_loop3A_136 = arith.constant 16 : index
        %parallel_loop3A_137 = tpu.vector_load %arg18[%parallel_loop3A_135, %parallel_loop3A_136] {strides = array<i32>} : memref<128x128xf32, #tpu.memory_space<vmem>>, vector<16xf32>,
        tpu.vector_store %arg18[%parallel_loop3A_135, %parallel_loop3A_136], %parallel_loop3A_134 {strides = array<i32>} : memref<128x128xf32, #tpu.memory_space<vmem>>, vector<16xf32>,
        %parallel_loop3A_138 = arith.index_cast %parallel_loop3A_121 : i32 to index
        %parallel_loop3A_139 = arith.constant 32 : index
        %parallel_loop3A_140 = tpu.vector_load %arg18[%parallel_loop3A_138, %parallel_loop3A_139] {strides = array<i32>} : memref<128x128xf32, #tpu.memory_space<vmem>>, vector<16xf32>,
        %parallel_loop3A_141 = arith.mulf %parallel_loop3A_140, %parallel_loop3A_123 : vector<16xf32>
        %parallel_loop3A_142 = arith.index_cast %parallel_loop3A_121 : i32 to index
        %parallel_loop3A_143 = arith.constant 32 : index
        %parallel_loop3A_144 = tpu.vector_load %arg18[%parallel_loop3A_142, %parallel_loop3A_143] {strides = array<i32>} : memref<128x128xf32, #tpu.memory_space<vmem>>, vector<16xf32>,
        tpu.vector_store %arg18[%parallel_loop3A_142, %parallel_loop3A_143], %parallel_loop3A_141 {strides = array<i32>} : memref<128x128xf32, #tpu.memory_space<vmem>>, vector<16xf32>,
        %parallel_loop3A_145 = arith.index_cast %parallel_loop3A_121 : i32 to index
        %parallel_loop3A_146 = arith.constant 48 : index
        %parallel_loop3A_147 = tpu.vector_load %arg18[%parallel_loop3A_145, %parallel_loop3A_146] {strides = array<i32>} : memref<128x128xf32, #tpu.memory_space<vmem>>, vector<16xf32>,
        %parallel_loop3A_148 = arith.mulf %parallel_loop3A_147, %parallel_loop3A_123 : vector<16xf32>
        %parallel_loop3A_149 = arith.index_cast %parallel_loop3A_121 : i32 to index
        %parallel_loop3A_150 = arith.constant 48 : index
        %parallel_loop3A_151 = tpu.vector_load %arg18[%parallel_loop3A_149, %parallel_loop3A_150] {strides = array<i32>} : memref<128x128xf32, #tpu.memory_space<vmem>>, vector<16xf32>,
        tpu.vector_store %arg18[%parallel_loop3A_149, %parallel_loop3A_150], %parallel_loop3A_148 {strides = array<i32>} : memref<128x128xf32, #tpu.memory_space<vmem>>, vector<16xf32>,
        %parallel_loop3A_152 = arith.index_cast %parallel_loop3A_121 : i32 to index
        %parallel_loop3A_153 = arith.constant 64 : index
        %parallel_loop3A_154 = tpu.vector_load %arg18[%parallel_loop3A_152, %parallel_loop3A_153] {strides = array<i32>} : memref<128x128xf32, #tpu.memory_space<vmem>>, vector<16xf32>,
        %parallel_loop3A_155 = arith.mulf %parallel_loop3A_154, %parallel_loop3A_123 : vector<16xf32>
        %parallel_loop3A_156 = arith.index_cast %parallel_loop3A_121 : i32 to index
        %parallel_loop3A_157 = arith.constant 64 : index
        %parallel_loop3A_158 = tpu.vector_load %arg18[%parallel_loop3A_156, %parallel_loop3A_157] {strides = array<i32>} : memref<128x128xf32, #tpu.memory_space<vmem>>, vector<16xf32>,
        tpu.vector_store %arg18[%parallel_loop3A_156, %parallel_loop3A_157], %parallel_loop3A_155 {strides = array<i32>} : memref<128x128xf32, #tpu.memory_space<vmem>>, vector<16xf32>,
        %parallel_loop3A_159 = arith.index_cast %parallel_loop3A_121 : i32 to index
        %parallel_loop3A_160 = arith.constant 80 : index
        %parallel_loop3A_161 = tpu.vector_load %arg18[%parallel_loop3A_159, %parallel_loop3A_160] {strides = array<i32>} : memref<128x128xf32, #tpu.memory_space<vmem>>, vector<16xf32>,
        %parallel_loop3A_162 = arith.mulf %parallel_loop3A_161, %parallel_loop3A_123 : vector<16xf32>
        %parallel_loop3A_163 = arith.index_cast %parallel_loop3A_121 : i32 to index
        %parallel_loop3A_164 = arith.constant 80 : index
        %parallel_loop3A_165 = tpu.vector_load %arg18[%parallel_loop3A_163, %parallel_loop3A_164] {strides = array<i32>} : memref<128x128xf32, #tpu.memory_space<vmem>>, vector<16xf32>,
        tpu.vector_store %arg18[%parallel_loop3A_163, %parallel_loop3A_164], %parallel_loop3A_162 {strides = array<i32>} : memref<128x128xf32, #tpu.memory_space<vmem>>, vector<16xf32>,
        %parallel_loop3A_166 = arith.index_cast %parallel_loop3A_121 : i32 to index
        %parallel_loop3A_167 = arith.constant 96 : index
        %parallel_loop3A_168 = tpu.vector_load %arg18[%parallel_loop3A_166, %parallel_loop3A_167] {strides = array<i32>} : memref<128x128xf32, #tpu.memory_space<vmem>>, vector<16xf32>,
        %parallel_loop3A_169 = arith.mulf %parallel_loop3A_168, %parallel_loop3A_123 : vector<16xf32>
        %parallel_loop3A_170 = arith.index_cast %parallel_loop3A_121 : i32 to index
        %parallel_loop3A_171 = arith.constant 96 : index
        %parallel_loop3A_172 = tpu.vector_load %arg18[%parallel_loop3A_170, %parallel_loop3A_171] {strides = array<i32>} : memref<128x128xf32, #tpu.memory_space<vmem>>, vector<16xf32>,
        tpu.vector_store %arg18[%parallel_loop3A_170, %parallel_loop3A_171], %parallel_loop3A_169 {strides = array<i32>} : memref<128x128xf32, #tpu.memory_space<vmem>>, vector<16xf32>,
        %parallel_loop3A_173 = arith.index_cast %parallel_loop3A_121 : i32 to index
        %parallel_loop3A_174 = arith.constant 112 : index
        %parallel_loop3A_175 = tpu.vector_load %arg18[%parallel_loop3A_173, %parallel_loop3A_174] {strides = array<i32>} : memref<128x128xf32, #tpu.memory_space<vmem>>, vector<16xf32>,
        %parallel_loop3A_176 = arith.mulf %parallel_loop3A_175, %parallel_loop3A_123 : vector<16xf32>
        %parallel_loop3A_177 = arith.index_cast %parallel_loop3A_121 : i32 to index
        %parallel_loop3A_178 = arith.constant 112 : index
        %parallel_loop3A_179 = tpu.vector_load %arg18[%parallel_loop3A_177, %parallel_loop3A_178] {strides = array<i32>} : memref<128x128xf32, #tpu.memory_space<vmem>>, vector<16xf32>,
        tpu.vector_store %arg18[%parallel_loop3A_177, %parallel_loop3A_178], %parallel_loop3A_176 {strides = array<i32>} : memref<128x128xf32, #tpu.memory_space<vmem>>, vector<16xf32>,
      } {sc.loop_unroll_factor = 4 : i64, sc.parallel_access}
      %dma_start3A_105 = arith.constant 0 : i32
      %dma_start3A_106 = arith.constant 0 : i32
      %dma_start3A_107 = tpu.memref_slice %arg7[%dma_start3A_105, %dma_start3A_106] : memref<10000x128xf32, #tpu.memory_space<vmem_shared>> -> memref<10000x128xf32, #tpu.memory_space<vmem_shared>>
      tpu.enqueue_indirect_dma source(%arg18 : memref<128x128xf32, #tpu.memory_space<vmem>>) target(%dma_start3A_107 : memref<10000x128xf32, #tpu.memory_space<vmem_shared>>) offsets(%arg12 : memref<128xi32, #tpu.memory_space<vmem>>) semaphore(%arg24 : memref<!tpu.dma_semaphore, #tpu.memory_space<semaphore_mem>>) {add = true}
      %dma_wait3A_108 = arith.constant 0 : i32
      %dma_wait3A_109 = arith.constant 0 : i32
      %dma_wait3A_110 = tpu.memref_slice %arg5[%dma_wait3A_108, %dma_wait3A_109] : memref<10000x128xf32, #tpu.memory_space<hbm>> -> memref<10000x128xf32, #tpu.memory_space<hbm>>
      tpu.wait_indirect_dma semaphore(%arg22 : memref<!tpu.dma_semaphore, #tpu.memory_space<semaphore_mem>>) src(%dma_wait3A_110 : memref<10000x128xf32, #tpu.memory_space<hbm>>) dst(%arg19 : memref<128x128xf32, #tpu.memory_space<vmem>>)
      %dma_wait3A_111 = tpu.memref_slice %arg3[%mul3A_75] : memref<331776xi32, #tpu.memory_space<hbm>> -> memref<128xi32, #tpu.memory_space<hbm>>
      %dma_wait3A_112 = tpu.memref_slice %arg3[%mul3A_75] : memref<331776xi32, #tpu.memory_space<hbm>> -> memref<128xi32, #tpu.memory_space<hbm>>
      tpu.wait_dma2 semaphore(%arg28 : memref<!tpu.dma_semaphore, #tpu.memory_space<semaphore_mem>>) src(%dma_wait3A_112 : memref<128xi32, #tpu.memory_space<hbm>>) dst(%arg13 : memref<128xi32, #tpu.memory_space<vmem>>)
      %dma_wait3A_113 = tpu.memref_slice %arg4[%mul3A_75] : memref<331776xf32, #tpu.memory_space<hbm>> -> memref<128xf32, #tpu.memory_space<hbm>>
      %dma_wait3A_114 = tpu.memref_slice %arg4[%mul3A_75] : memref<331776xf32, #tpu.memory_space<hbm>> -> memref<128xf32, #tpu.memory_space<hbm>>
      tpu.wait_dma2 semaphore(%arg28 : memref<!tpu.dma_semaphore, #tpu.memory_space<semaphore_mem>>) src(%dma_wait3A_114 : memref<128xf32, #tpu.memory_space<hbm>>) dst(%arg16 : memref<128xf32, #tpu.memory_space<vmem>>)
      %parallel_loop3A_115 = arith.constant 0 : i32
      %parallel_loop3A_116 = arith.constant 128 : i32
      %parallel_loop3A_117 = arith.constant 1 : i32
      scf.for %parallel_loop3A_121 = %parallel_loop3A_115 to %parallel_loop3A_116 step %parallel_loop3A_117  : i32 {
        %parallel_loop3A_122 = vector.broadcast %parallel_loop3A_121 : i32 to vector<16xi32>
        %parallel_loop3A_123 = tpu.vector_load_idx %arg16[%parallel_loop3A_122] : memref<128xf32, #tpu.memory_space<vmem>>[vector<16xi32>], vector<16xf32>,
        %parallel_loop3A_124 = arith.index_cast %parallel_loop3A_121 : i32 to index
        %parallel_loop3A_125 = arith.constant 0 : index
        %parallel_loop3A_126 = tpu.vector_load %arg19[%parallel_loop3A_124, %parallel_loop3A_125] {strides = array<i32>} : memref<128x128xf32, #tpu.memory_space<vmem>>, vector<16xf32>,
        %parallel_loop3A_127 = arith.mulf %parallel_loop3A_126, %parallel_loop3A_123 : vector<16xf32>
        %parallel_loop3A_128 = arith.index_cast %parallel_loop3A_121 : i32 to index
        %parallel_loop3A_129 = arith.constant 0 : index
        %parallel_loop3A_130 = tpu.vector_load %arg19[%parallel_loop3A_128, %parallel_loop3A_129] {strides = array<i32>} : memref<128x128xf32, #tpu.memory_space<vmem>>, vector<16xf32>,
        tpu.vector_store %arg19[%parallel_loop3A_128, %parallel_loop3A_129], %parallel_loop3A_127 {strides = array<i32>} : memref<128x128xf32, #tpu.memory_space<vmem>>, vector<16xf32>,
        %parallel_loop3A_131 = arith.index_cast %parallel_loop3A_121 : i32 to index
        %parallel_loop3A_132 = arith.constant 16 : index
        %parallel_loop3A_133 = tpu.vector_load %arg19[%parallel_loop3A_131, %parallel_loop3A_132] {strides = array<i32>} : memref<128x128xf32, #tpu.memory_space<vmem>>, vector<16xf32>,
        %parallel_loop3A_134 = arith.mulf %parallel_loop3A_133, %parallel_loop3A_123 : vector<16xf32>
        %parallel_loop3A_135 = arith.index_cast %parallel_loop3A_121 : i32 to index
        %parallel_loop3A_136 = arith.constant 16 : index
        %parallel_loop3A_137 = tpu.vector_load %arg19[%parallel_loop3A_135, %parallel_loop3A_136] {strides = array<i32>} : memref<128x128xf32, #tpu.memory_space<vmem>>, vector<16xf32>,
        tpu.vector_store %arg19[%parallel_loop3A_135, %parallel_loop3A_136], %parallel_loop3A_134 {strides = array<i32>} : memref<128x128xf32, #tpu.memory_space<vmem>>, vector<16xf32>,
        %parallel_loop3A_138 = arith.index_cast %parallel_loop3A_121 : i32 to index
        %parallel_loop3A_139 = arith.constant 32 : index
        %parallel_loop3A_140 = tpu.vector_load %arg19[%parallel_loop3A_138, %parallel_loop3A_139] {strides = array<i32>} : memref<128x128xf32, #tpu.memory_space<vmem>>, vector<16xf32>,
        %parallel_loop3A_141 = arith.mulf %parallel_loop3A_140, %parallel_loop3A_123 : vector<16xf32>
        %parallel_loop3A_142 = arith.index_cast %parallel_loop3A_121 : i32 to index
        %parallel_loop3A_143 = arith.constant 32 : index
        %parallel_loop3A_144 = tpu.vector_load %arg19[%parallel_loop3A_142, %parallel_loop3A_143] {strides = array<i32>} : memref<128x128xf32, #tpu.memory_space<vmem>>, vector<16xf32>,
        tpu.vector_store %arg19[%parallel_loop3A_142, %parallel_loop3A_143], %parallel_loop3A_141 {strides = array<i32>} : memref<128x128xf32, #tpu.memory_space<vmem>>, vector<16xf32>,
        %parallel_loop3A_145 = arith.index_cast %parallel_loop3A_121 : i32 to index
        %parallel_loop3A_146 = arith.constant 48 : index
        %parallel_loop3A_147 = tpu.vector_load %arg19[%parallel_loop3A_145, %parallel_loop3A_146] {strides = array<i32>} : memref<128x128xf32, #tpu.memory_space<vmem>>, vector<16xf32>,
        %parallel_loop3A_148 = arith.mulf %parallel_loop3A_147, %parallel_loop3A_123 : vector<16xf32>
        %parallel_loop3A_149 = arith.index_cast %parallel_loop3A_121 : i32 to index
        %parallel_loop3A_150 = arith.constant 48 : index
        %parallel_loop3A_151 = tpu.vector_load %arg19[%parallel_loop3A_149, %parallel_loop3A_150] {strides = array<i32>} : memref<128x128xf32, #tpu.memory_space<vmem>>, vector<16xf32>,
        tpu.vector_store %arg19[%parallel_loop3A_149, %parallel_loop3A_150], %parallel_loop3A_148 {strides = array<i32>} : memref<128x128xf32, #tpu.memory_space<vmem>>, vector<16xf32>,
        %parallel_loop3A_152 = arith.index_cast %parallel_loop3A_121 : i32 to index
        %parallel_loop3A_153 = arith.constant 64 : index
        %parallel_loop3A_154 = tpu.vector_load %arg19[%parallel_loop3A_152, %parallel_loop3A_153] {strides = array<i32>} : memref<128x128xf32, #tpu.memory_space<vmem>>, vector<16xf32>,
        %parallel_loop3A_155 = arith.mulf %parallel_loop3A_154, %parallel_loop3A_123 : vector<16xf32>
        %parallel_loop3A_156 = arith.index_cast %parallel_loop3A_121 : i32 to index
        %parallel_loop3A_157 = arith.constant 64 : index
        %parallel_loop3A_158 = tpu.vector_load %arg19[%parallel_loop3A_156, %parallel_loop3A_157] {strides = array<i32>} : memref<128x128xf32, #tpu.memory_space<vmem>>, vector<16xf32>,
        tpu.vector_store %arg19[%parallel_loop3A_156, %parallel_loop3A_157], %parallel_loop3A_155 {strides = array<i32>} : memref<128x128xf32, #tpu.memory_space<vmem>>, vector<16xf32>,
        %parallel_loop3A_159 = arith.index_cast %parallel_loop3A_121 : i32 to index
        %parallel_loop3A_160 = arith.constant 80 : index
        %parallel_loop3A_161 = tpu.vector_load %arg19[%parallel_loop3A_159, %parallel_loop3A_160] {strides = array<i32>} : memref<128x128xf32, #tpu.memory_space<vmem>>, vector<16xf32>,
        %parallel_loop3A_162 = arith.mulf %parallel_loop3A_161, %parallel_loop3A_123 : vector<16xf32>
        %parallel_loop3A_163 = arith.index_cast %parallel_loop3A_121 : i32 to index
        %parallel_loop3A_164 = arith.constant 80 : index
        %parallel_loop3A_165 = tpu.vector_load %arg19[%parallel_loop3A_163, %parallel_loop3A_164] {strides = array<i32>} : memref<128x128xf32, #tpu.memory_space<vmem>>, vector<16xf32>,
        tpu.vector_store %arg19[%parallel_loop3A_163, %parallel_loop3A_164], %parallel_loop3A_162 {strides = array<i32>} : memref<128x128xf32, #tpu.memory_space<vmem>>, vector<16xf32>,
        %parallel_loop3A_166 = arith.index_cast %parallel_loop3A_121 : i32 to index
        %parallel_loop3A_167 = arith.constant 96 : index
        %parallel_loop3A_168 = tpu.vector_load %arg19[%parallel_loop3A_166, %parallel_loop3A_167] {strides = array<i32>} : memref<128x128xf32, #tpu.memory_space<vmem>>, vector<16xf32>,
        %parallel_loop3A_169 = arith.mulf %parallel_loop3A_168, %parallel_loop3A_123 : vector<16xf32>
        %parallel_loop3A_170 = arith.index_cast %parallel_loop3A_121 : i32 to index
        %parallel_loop3A_171 = arith.constant 96 : index
        %parallel_loop3A_172 = tpu.vector_load %arg19[%parallel_loop3A_170, %parallel_loop3A_171] {strides = array<i32>} : memref<128x128xf32, #tpu.memory_space<vmem>>, vector<16xf32>,
        tpu.vector_store %arg19[%parallel_loop3A_170, %parallel_loop3A_171], %parallel_loop3A_169 {strides = array<i32>} : memref<128x128xf32, #tpu.memory_space<vmem>>, vector<16xf32>,
        %parallel_loop3A_173 = arith.index_cast %parallel_loop3A_121 : i32 to index
        %parallel_loop3A_174 = arith.constant 112 : index
        %parallel_loop3A_175 = tpu.vector_load %arg19[%parallel_loop3A_173, %parallel_loop3A_174] {strides = array<i32>} : memref<128x128xf32, #tpu.memory_space<vmem>>, vector<16xf32>,
        %parallel_loop3A_176 = arith.mulf %parallel_loop3A_175, %parallel_loop3A_123 : vector<16xf32>
        %parallel_loop3A_177 = arith.index_cast %parallel_loop3A_121 : i32 to index
        %parallel_loop3A_178 = arith.constant 112 : index
        %parallel_loop3A_179 = tpu.vector_load %arg19[%parallel_loop3A_177, %parallel_loop3A_178] {strides = array<i32>} : memref<128x128xf32, #tpu.memory_space<vmem>>, vector<16xf32>,
        tpu.vector_store %arg19[%parallel_loop3A_177, %parallel_loop3A_178], %parallel_loop3A_176 {strides = array<i32>} : memref<128x128xf32, #tpu.memory_space<vmem>>, vector<16xf32>,
      } {sc.loop_unroll_factor = 4 : i64, sc.parallel_access}
      %dma_start3A_118 = arith.constant 0 : i32
      %dma_start3A_119 = arith.constant 0 : i32
      %dma_start3A_120 = tpu.memref_slice %arg7[%dma_start3A_118, %dma_start3A_119] : memref<10000x128xf32, #tpu.memory_space<vmem_shared>> -> memref<10000x128xf32, #tpu.memory_space<vmem_shared>>
      tpu.enqueue_indirect_dma source(%arg19 : memref<128x128xf32, #tpu.memory_space<vmem>>) target(%dma_start3A_120 : memref<10000x128xf32, #tpu.memory_space<vmem_shared>>) offsets(%arg13 : memref<128xi32, #tpu.memory_space<vmem>>) semaphore(%arg25 : memref<!tpu.dma_semaphore, #tpu.memory_space<semaphore_mem>>) {add = true}
    }
    %scan3A_16 = arith.constant 27 : i32
    %dma_wait3A = arith.constant 0 : i32
    %dma_wait3A_17 = arith.constant 0 : i32
    %dma_wait3A_18 = tpu.memref_slice %arg7[%dma_wait3A, %dma_wait3A_17] : memref<10000x128xf32, #tpu.memory_space<vmem_shared>> -> memref<10000x128xf32, #tpu.memory_space<vmem_shared>>
    tpu.wait_indirect_dma semaphore(%arg23 : memref<!tpu.dma_semaphore, #tpu.memory_space<semaphore_mem>>) src(%arg17 : memref<128x128xf32, #tpu.memory_space<vmem>>) dst(%dma_wait3A_18 : memref<10000x128xf32, #tpu.memory_space<vmem_shared>>)
    %dma_wait3A_19 = arith.constant 0 : i32
    %dma_wait3A_20 = arith.constant 0 : i32
    %dma_wait3A_21 = tpu.memref_slice %arg7[%dma_wait3A_19, %dma_wait3A_20] : memref<10000x128xf32, #tpu.memory_space<vmem_shared>> -> memref<10000x128xf32, #tpu.memory_space<vmem_shared>>
    tpu.wait_indirect_dma semaphore(%arg24 : memref<!tpu.dma_semaphore, #tpu.memory_space<semaphore_mem>>) src(%arg18 : memref<128x128xf32, #tpu.memory_space<vmem>>) dst(%dma_wait3A_21 : memref<10000x128xf32, #tpu.memory_space<vmem_shared>>)
    %dma_wait3A_22 = arith.constant 0 : i32
    %dma_wait3A_23 = arith.constant 0 : i32
    %dma_wait3A_24 = tpu.memref_slice %arg7[%dma_wait3A_22, %dma_wait3A_23] : memref<10000x128xf32, #tpu.memory_space<vmem_shared>> -> memref<10000x128xf32, #tpu.memory_space<vmem_shared>>
    tpu.wait_indirect_dma semaphore(%arg25 : memref<!tpu.dma_semaphore, #tpu.memory_space<semaphore_mem>>) src(%arg19 : memref<128x128xf32, #tpu.memory_space<vmem>>) dst(%dma_wait3A_24 : memref<10000x128xf32, #tpu.memory_space<vmem_shared>>)
    %barrier3A_25 = arith.constant 0 : index
    tpu.barrier barrier_id(%barrier3A_25)
    %scan3A_26 = arith.constant 0 : i32
    %scan3A_27 = arith.constant 8 : i32
    %scan3A_28 = arith.addi %scan3A_26, %scan3A_27 : i32
    %scan3A_29 = arith.constant 1 : i32
    scf.for %scan3A_31 = %scan3A_26 to %scan3A_28 step %scan3A_29  : i32 {
      %mul3A_32 = arith.constant 1 : i32
      %mul3A_33 = arith.muli %scan3A_31, %mul3A_32 : i32
      %add3A_34 = arith.constant 0 : i32
      %add3A_35 = arith.addi %add3A_34, %mul3A_33 : i32
      %mul3A_36 = arith.constant 16 : i32
      %mul3A_37 = arith.muli %add3A_35, %mul3A_36 : i32
      %add3A_38 = arith.addi %mul3A_37, %arg1 : i32
      %lt3A = arith.constant 125 : i32
      %lt3A_39 = arith.cmpi slt, %add3A_38, %lt3A : i32
      %convert_element_type3A = arith.extui %lt3A_39 : i1 to i32
      %cond3A = arith.constant 0 : i32
      %cond3A_40 = arith.cmpi ne, %convert_element_type3A, %cond3A : i32
      scf.if %cond3A_40 {
        %mul3A_41 = arith.constant 80 : i32
        %mul3A_42 = arith.muli %add3A_38, %mul3A_41 : i32
        %mul3A_43 = arith.constant 80 : i32
        %mul3A_44 = arith.muli %add3A_38, %mul3A_43 : i32
        "tpu.region"() ({
          %run_scoped3A = tpu.sem_alloc : memref<!tpu.dma_semaphore, #tpu.memory_space<semaphore_mem>>
          %dma_start3A = arith.constant 0 : i32
          %dma_start3A_45 = tpu.memref_slice %arg6[%arg0, %mul3A_44, %dma_start3A] : memref<2x10000x128xf32, #tpu.memory_space<hbm>> -> memref<1x80x128xf32, #tpu.memory_space<hbm>>
          %dma_start3A_46 = tpu.memref_squeeze %dma_start3A_45 : memref<1x80x128xf32, #tpu.memory_space<hbm>> -> memref<80x128xf32, #tpu.memory_space<hbm>>
          %dma_start3A_47 = arith.constant 0 : i32
          %dma_start3A_48 = tpu.memref_slice %arg7[%mul3A_42, %dma_start3A_47] : memref<10000x128xf32, #tpu.memory_space<vmem_shared>> -> memref<80x128xf32, #tpu.memory_space<vmem_shared>>
          tpu.enqueue_dma source(%dma_start3A_48 : memref<80x128xf32, #tpu.memory_space<vmem_shared>>) target(%dma_start3A_46 : memref<80x128xf32, #tpu.memory_space<hbm>>) target_semaphore(%run_scoped3A : memref<!tpu.dma_semaphore, #tpu.memory_space<semaphore_mem>>)
          %dma_wait3A_49 = arith.constant 0 : i32
          %dma_wait3A_50 = tpu.memref_slice %arg6[%arg0, %mul3A_44, %dma_wait3A_49] : memref<2x10000x128xf32, #tpu.memory_space<hbm>> -> memref<1x80x128xf32, #tpu.memory_space<hbm>>
          %dma_wait3A_51 = tpu.memref_squeeze %dma_wait3A_50 : memref<1x80x128xf32, #tpu.memory_space<hbm>> -> memref<80x128xf32, #tpu.memory_space<hbm>>
          %dma_wait3A_52 = arith.constant 0 : i32
          %dma_wait3A_53 = tpu.memref_slice %arg7[%mul3A_42, %dma_wait3A_52] : memref<10000x128xf32, #tpu.memory_space<vmem_shared>> -> memref<80x128xf32, #tpu.memory_space<vmem_shared>>
          tpu.wait_dma2 semaphore(%run_scoped3A : memref<!tpu.dma_semaphore, #tpu.memory_space<semaphore_mem>>) src(%dma_wait3A_53 : memref<80x128xf32, #tpu.memory_space<vmem_shared>>) dst(%dma_wait3A_51 : memref<80x128xf32, #tpu.memory_space<hbm>>)
          tpu.yield
        }) : () -> ()
      } else {
      }
    }
    %scan3A_30 = arith.constant 8 : i32
    return
  }
}

module attributes {stable_mosaic.version = 14 : i64} {
  func.func @_tc_body(%arg0: i32, %arg1: memref<2x1000x128xf32, #tpu.memory_space<vmem>>, %arg2: memref<128x128xf32, #tpu.memory_space<vmem>>, %arg3: memref<1x128xf32, #tpu.memory_space<vmem>>, %arg4: memref<128x128xf32, #tpu.memory_space<vmem>>, %arg5: memref<1x128xf32, #tpu.memory_space<vmem>>, %arg6: memref<1000x128xf32, #tpu.memory_space<vmem>>, %arg7: memref<1000x128xf32, #tpu.memory_space<vmem>>) attributes {dimension_semantics = [#tpu.dimension_semantics<arbitrary>], iteration_bounds = array<i64: 10>, scalar_prefetch = 0 : i64, scratch_operands = 0 : i64, tpu.core_type = #tpu.core_type<tc>, window_params = [{transform_indices = @transform_0, window_bounds = array<i64: 2, 1000, 128>}, {pipeline_mode = #tpu.pipeline_mode<synchronous>, transform_indices = @transform_1, window_bounds = array<i64: 128, 128>}, {pipeline_mode = #tpu.pipeline_mode<synchronous>, transform_indices = @transform_2, window_bounds = array<i64: 1, 128>}, {pipeline_mode = #tpu.pipeline_mode<synchronous>, transform_indices = @transform_3, window_bounds = array<i64: 128, 128>}, {pipeline_mode = #tpu.pipeline_mode<synchronous>, transform_indices = @transform_4, window_bounds = array<i64: 1, 128>}, {transform_indices = @transform_5, window_bounds = array<i64: 1000, 128>}, {transform_indices = @transform_6, window_bounds = array<i64: 1000, 128>}]} {
    %get3A = arith.constant 0 : index
    %get3A_0 = arith.constant 0 : index
    %get3A_1 = arith.constant 0 : index
    %get3A_2 = vector.load %arg1[%get3A, %get3A_0, %get3A_1] : memref<2x1000x128xf32, #tpu.memory_space<vmem>>, vector<1x1000x128xf32>
    %get3A_3 = vector.shape_cast %get3A_2 : vector<1x1000x128xf32> to vector<1000x128xf32>
    %get3A_4 = arith.constant 1 : index
    %get3A_5 = arith.constant 0 : index
    %get3A_6 = arith.constant 0 : index
    %get3A_7 = vector.load %arg1[%get3A_4, %get3A_5, %get3A_6] : memref<2x1000x128xf32, #tpu.memory_space<vmem>>, vector<1x1000x128xf32>
    %get3A_8 = vector.shape_cast %get3A_7 : vector<1x1000x128xf32> to vector<1000x128xf32>
    %add3A = arith.addf %get3A_3, %get3A_8 : vector<1000x128xf32>
    %get3A_9 = arith.constant 0 : index
    %get3A_10 = arith.constant 0 : index
    %get3A_11 = vector.load %arg2[%get3A_9, %get3A_10] : memref<128x128xf32, #tpu.memory_space<vmem>>, vector<128x128xf32>
    %dot_general3A = arith.constant dense<0.000000e+00> : vector<1000x128xf32>
    %dot_general3A_12 = tpu.matmul %add3A, %get3A_11, %dot_general3A {dimension_numbers = #tpu.dot_dimension_numbers<[1], [1], [0], [0], [0, 0, 1, 0], [], []>, precision = #tpu.contract_precision<fp32>, transpose_lhs_hint = false} : vector<1000x128xf32>, vector<128x128xf32>, vector<1000x128xf32> -> vector<1000x128xf32>
    %get3A_13 = arith.constant 0 : index
    %get3A_14 = arith.constant 0 : index
    %get3A_15 = vector.load %arg3[%get3A_13, %get3A_14] : memref<1x128xf32, #tpu.memory_space<vmem>>, vector<1x128xf32>
    %add3A_16 = vector.broadcast %get3A_15 : vector<1x128xf32> to vector<1000x128xf32>
    %add3A_17 = arith.addf %dot_general3A_12, %add3A_16 : vector<1000x128xf32>
    %swap3A = arith.constant 0 : index
    %swap3A_18 = arith.constant 0 : index
    %swap3A_19 = vector.load %arg6[%swap3A, %swap3A_18] : memref<1000x128xf32, #tpu.memory_space<vmem>>, vector<1000x128xf32>
    tpu.vector_store %arg6[%swap3A, %swap3A_18], %add3A_17 {strides = array<i32>} : memref<1000x128xf32, #tpu.memory_space<vmem>>, vector<1000x128xf32>,
    %get3A_20 = arith.constant 0 : index
    %get3A_21 = arith.constant 0 : index
    %get3A_22 = vector.load %arg4[%get3A_20, %get3A_21] : memref<128x128xf32, #tpu.memory_space<vmem>>, vector<128x128xf32>
    %dot_general3A_23 = arith.constant dense<0.000000e+00> : vector<1000x128xf32>
    %dot_general3A_24 = tpu.matmul %add3A, %get3A_22, %dot_general3A_23 {dimension_numbers = #tpu.dot_dimension_numbers<[1], [1], [0], [0], [0, 0, 1, 0], [], []>, precision = #tpu.contract_precision<fp32>, transpose_lhs_hint = false} : vector<1000x128xf32>, vector<128x128xf32>, vector<1000x128xf32> -> vector<1000x128xf32>
    %get3A_25 = arith.constant 0 : index
    %get3A_26 = arith.constant 0 : index
    %get3A_27 = vector.load %arg5[%get3A_25, %get3A_26] : memref<1x128xf32, #tpu.memory_space<vmem>>, vector<1x128xf32>
    %add3A_28 = vector.broadcast %get3A_27 : vector<1x128xf32> to vector<1000x128xf32>
    %add3A_29 = arith.addf %dot_general3A_24, %add3A_28 : vector<1000x128xf32>
    %custom_jvp_call3A = arith.constant 0.000000e+00 : f32
    %max3A = vector.broadcast %custom_jvp_call3A : f32 to vector<1000x128xf32>
    %max3A_30 = arith.maximumf %add3A_29, %max3A : vector<1000x128xf32>
    %sub3A = vector.broadcast %custom_jvp_call3A : f32 to vector<1000x128xf32>
    %sub3A_31 = arith.subf %add3A_29, %sub3A : vector<1000x128xf32>
    %ne3A = arith.cmpf one, %sub3A_31, %sub3A_31 : vector<1000x128xf32>
    %add3A_32 = vector.broadcast %custom_jvp_call3A : f32 to vector<1000x128xf32>
    %add3A_33 = arith.addf %add3A_29, %add3A_32 : vector<1000x128xf32>
    %abs3A = math.absf %sub3A_31 : vector<1000x128xf32>
    %neg3A = arith.constant 0.000000e+00 : f32
    %neg3A_34 = vector.broadcast %neg3A : f32 to vector<1000x128xf32>
    %neg3A_35 = arith.subf %neg3A_34, %abs3A : vector<1000x128xf32>
    %exp3A = math.exp %neg3A_35 : vector<1000x128xf32>
    %log1p3A = math.log1p %exp3A : vector<1000x128xf32>
    %add3A_36 = arith.addf %max3A_30, %log1p3A : vector<1000x128xf32>
    %select_n3A = arith.select %ne3A, %add3A_33, %add3A_36 : vector<1000x128xi1>, vector<1000x128xf32>
    %add3A_37 = arith.constant 1.000000e-07 : f32
    %add3A_38 = vector.broadcast %add3A_37 : f32 to vector<1000x128xf32>
    %add3A_39 = arith.addf %select_n3A, %add3A_38 : vector<1000x128xf32>
    %swap3A_40 = arith.constant 0 : index
    %swap3A_41 = arith.constant 0 : index
    %swap3A_42 = vector.load %arg7[%swap3A_40, %swap3A_41] : memref<1000x128xf32, #tpu.memory_space<vmem>>, vector<1000x128xf32>
    tpu.vector_store %arg7[%swap3A_40, %swap3A_41], %add3A_39 {strides = array<i32>} : memref<1000x128xf32, #tpu.memory_space<vmem>>, vector<1000x128xf32>,
    return
  }
  func.func @transform_0(%arg0: i32) -> (i32, i32, i32) {
    %c0_i32 = arith.constant 0 : i32
    %c0_i32_0 = arith.constant 0 : i32
    %c0_i32_1 = arith.constant 0 : i32
    return %c0_i32, %arg0, %c0_i32_0 : i32, i32, i32
  }
  func.func @transform_1(%arg0: i32) -> (i32, i32) {
    %c0_i32 = arith.constant 0 : i32
    %c0_i32_0 = arith.constant 0 : i32
    %c0_i32_1 = arith.constant 0 : i32
    return %c0_i32, %c0_i32_0 : i32, i32
  }
  func.func @transform_2(%arg0: i32) -> (i32, i32) {
    %c0_i32 = arith.constant 0 : i32
    %c0_i32_0 = arith.constant 0 : i32
    %c0_i32_1 = arith.constant 0 : i32
    return %c0_i32, %c0_i32_0 : i32, i32
  }
  func.func @transform_3(%arg0: i32) -> (i32, i32) {
    %c0_i32 = arith.constant 0 : i32
    %c0_i32_0 = arith.constant 0 : i32
    %c0_i32_1 = arith.constant 0 : i32
    return %c0_i32, %c0_i32_0 : i32, i32
  }
  func.func @transform_4(%arg0: i32) -> (i32, i32) {
    %c0_i32 = arith.constant 0 : i32
    %c0_i32_0 = arith.constant 0 : i32
    %c0_i32_1 = arith.constant 0 : i32
    return %c0_i32, %c0_i32_0 : i32, i32
  }
  func.func @transform_5(%arg0: i32) -> (i32, i32) {
    %c0_i32 = arith.constant 0 : i32
    %c0_i32_0 = arith.constant 0 : i32
    return %arg0, %c0_i32 : i32, i32
  }
  func.func @transform_6(%arg0: i32) -> (i32, i32) {
    %c0_i32 = arith.constant 0 : i32
    %c0_i32_0 = arith.constant 0 : i32
    return %arg0, %c0_i32 : i32, i32
  }
}

</mosaic_0001>

<sc_bundles>
// kernel: kernel.4.cloned.1.call-start
scs
__scs_entry_jumppad:
0x0: {  	(pc) =	sbr.rel $0x88, $3  }
0x1: {  	(tag) =	ssettag $0x0;
	lr =	simm.s32 $0x1  }
0x2: {  	[smem:$0x3F98] =	sst lr;
	_ =	strace $0xD0000000  }
0x3: {  	_ = 	snop  }
0x4: {  	_ = 	snop  }
0x5: {  	_ = 	snop  }
0x6: {  	_ = 	snop  }
0x7: {  	_ = 	snop  }
__scs_overlays_trampoline_lowered:
0x8: {  	[smem:$0x3FA7] =	sst s0  }
0x9: {  	[smem:$0x3FA8] =	sst s1  }
0xa: {  	[smem:$0x3FA9] =	sst s2  }
0xb: {  	[smem:$0x3FAA] =	sst s3  }
0xc: {  	[smem:$0x3FAB] =	sst s4  }
0xd: {  	[smem:$0x3FAC] =	sst s5  }
0xe: {  	[smem:$0x3FAD] =	sst s6  }
0xf: {  	[smem:$0x3FAE] =	sst s7  }
0x10: {  	[smem:$0x3FAF] =	sst s8  }
0x11: {  	[smem:$0x3FB0] =	sst s9;
	s0 =	simm.s32 @!p0 $0x0  }
0x12: {  	s1 =	sld [smem:$0x3F96];
	s0 =	simm.s32 @p0 $0x1  }
0x13: {  	[smem:$0x3FB1] =	sst s0;
	s0 =	simm.s32 @!p1 $0x0  }
0x14: {  	s2 =	sld [smem:$0x3F95];
	s0 =	simm.s32 @p1 $0x1  }
0x15: {  	[smem:$0x3FB2] =	sst s0;
	s0 =	simm.s32 @!p2 $0x0  }
0x16: {  	s3 =	sld [smem:$0x3FDB];
	s0 =	simm.s32 @p2 $0x1  }
0x17: {  	s4 =	simm.s32 $0x1BF5;
	[smem:$0x3FB4] =	sst s0  }
0x18: {  	s0 =	sld [smem:$0x3F97];
	_ =	swait.ge [sflag:s4], $0x0  }
0x19: {  	s7 =	sld [smem:$0x3F98]  }
0x1a: {  	s8 =	sadd.s32 $0xFFFFE003, lr  }
0x1b: {  	s9 =	sadd.s32 $0xFFFFFEF7, lr;
	s5 =	simm.s32 $0xFFFFFFFF;
	p2 =	slt.u32 s8, $0xFFFFF086  }
0x1c: {  	p1 =	slt.u32 s9, $0xF7A;
	s5 =	simm.s32 @!p2 $0x0  }
0x1d: {  	s5 =	simm.s32 @p1 $0x1;
	p0 =	seq.s32 s7, s2  }
0x1e: {  	s7 =	smul.u32 @!p0 $0xF7A, s2;
	p2 =	seq.s32 @!p0 s5, $0x0  }
0x1f: {  	s9 =	smul.u32 $0xF7A, s1;
	s8 =	simm.s32 @!p0 $0x1BF5;
	p2 =	por !p2, p0  }
0x20: {  	[sflag:s8] =	ssyncset.s32 @!p0 $0xFFFFF086;
	s6 =	sadd.s32 @!p0 s3, s7;
	s7 =	simm.s32 @!p0 $0x108  }
0x21: {  	s3 =	sadd.s32 s3, s9;
	s6 =	sadd.s32 @!p0 $0x88, s6;
	s7 =	simm.s32 @p2 $0x1082  }
0x22: {  	[simem:s7], [sflag:s8] =	dma.local @!p0 [hbm:s6], $0xF7A  }
0x23: {  	s9 =	sor.u32 $0xD0000000, s2;
	s6 =	simm.s32 $0x108;
	_ =	swait.ge @!p0 [sflag:s8], $0x0  }
0x24: {  	s3 =	sadd.s32 $0x88, s3;
	s6 =	simm.s32 @!p1 $0x1082;
	[sflag:s4] =	ssyncset.s32 $0xFFFFF086  }
0x25: {  	[simem:s6], [sflag:s4] =	dma.local [hbm:s3], $0xF7A  }
0x26: {  	[smem:$0x3F98] =	sst s1;
	(tag) =	ssettag s2;
	_ =	strace s9  }
0x27: {  	s1 =	sld [smem:$0x3FA8]  }
0x28: {  	s2 =	sld [smem:$0x3FA9]  }
0x29: {  	s4 =	sld [smem:$0x3FAB]  }
0x2a: {  	p0 =	seq.s32 s5, $0x0;
	s5 =	sld [smem:$0x3FAC]  }
0x2b: {  	s6 =	sld [smem:$0x3FAD]  }
0x2c: {  	s7 =	sld [smem:$0x3FAE]  }
0x2d: {  	s3 =	simm.s32 $0x108;
	s8 =	sld [smem:$0x3FAF]  }
0x2e: {  	s3 =	simm.s32 @!p0 $0x1082;
	s9 =	sld [smem:$0x3FB0]  }
0x2f: {  	lr =	sadd.s32 s0, s3;
	s0 =	sld [smem:$0x3FA7]  }
0x30: {  	s3 =	sld [smem:$0x3FAA]  }
0x31: {  	[smem:$0x3FB3] =	sst s10  }
0x32: {  	s10 =	sld [smem:$0x3FB1];
	_ =	sdelay $0x3  }
0x33: {  	p0 =	seq.s32 s10, $0x1;
	s10 =	sld [smem:$0x3FB3];
	_ =	sdelay $0x3  }
0x34: {  	[smem:$0x3FB3] =	sst s10  }
0x35: {  	s10 =	sld [smem:$0x3FB2];
	_ =	sdelay $0x3  }
0x36: {  	p1 =	seq.s32 s10, $0x1;
	s10 =	sld [smem:$0x3FB3];
	_ =	sdelay $0x3  }
0x37: {  	[smem:$0x3FB3] =	sst s10  }
0x38: {  	s10 =	sld [smem:$0x3FB4]  }
0x39: {  	_ = 	snop;
	(pc) =	sbr.ind lr, $3  }
0x3a: {  	_ = 	snop  }
0x3b: {  	_ = 	snop  }
0x3c: {  	p2 =	seq.s32 s10, $0x1;
	s10 =	sld [smem:$0x3FB3]  }
0x3d: {  	_ =	shalt  }
0x3e: {  	_ =	shalt  }
0x3f: {  	_ =	shalt  }
0x40: {  	_ =	shalt  }
0x41: {  	_ =	shalt  }
0x42: {  	_ =	shalt  }
0x43: {  	_ =	shalt  }
0x44: {  	_ =	shalt  }
0x45: {  	_ =	shalt  }
0x46: {  	_ =	shalt  }
0x47: {  	_ =	shalt  }
0x48: {  	_ =	shalt  }
0x49: {  	_ =	shalt  }
0x4a: {  	_ =	shalt  }
0x4b: {  	_ =	shalt  }
0x4c: {  	_ =	shalt  }
0x4d: {  	_ =	shalt  }
0x4e: {  	_ =	shalt  }
0x4f: {  	_ =	shalt  }
0x50: {  	_ =	shalt  }
0x51: {  	_ =	shalt  }
0x52: {  	_ =	shalt  }
0x53: {  	_ =	shalt  }
0x54: {  	_ =	shalt  }
0x55: {  	_ =	shalt  }
0x56: {  	_ =	shalt  }
0x57: {  	_ =	shalt  }
0x58: {  	_ =	shalt  }
0x59: {  	_ =	shalt  }
0x5a: {  	_ =	shalt  }
0x5b: {  	_ =	shalt  }
0x5c: {  	_ =	shalt  }
0x5d: {  	_ =	shalt  }
0x5e: {  	_ =	shalt  }
0x5f: {  	_ =	shalt  }
0x60: {  	_ =	shalt  }
0x61: {  	_ =	shalt  }
0x62: {  	_ =	shalt  }
0x63: {  	_ =	shalt  }
0x64: {  	_ =	shalt  }
0x65: {  	_ =	shalt  }
0x66: {  	_ =	shalt  }
0x67: {  	_ =	shalt  }
0x68: {  	_ =	shalt  }
0x69: {  	_ =	shalt  }
0x6a: {  	_ =	shalt  }
0x6b: {  	_ =	shalt  }
0x6c: {  	_ =	shalt  }
0x6d: {  	_ =	shalt  }
0x6e: {  	_ =	shalt  }
0x6f: {  	_ =	shalt  }
0x70: {  	_ =	shalt  }
0x71: {  	_ =	shalt  }
0x72: {  	_ =	shalt  }
0x73: {  	_ =	shalt  }
0x74: {  	_ =	shalt  }
0x75: {  	_ =	shalt  }
0x76: {  	_ =	shalt  }
0x77: {  	_ =	shalt  }
0x78: {  	_ =	shalt  }
0x79: {  	_ =	shalt  }
0x7a: {  	_ =	shalt  }
0x7b: {  	_ =	shalt  }
0x7c: {  	_ =	shalt  }
0x7d: {  	_ =	shalt  }
0x7e: {  	_ =	shalt  }
0x7f: {  	_ =	shalt  }
0x80: {  	_ =	shalt  }
0x81: {  	_ =	shalt  }
0x82: {  	_ =	shalt  }
0x83: {  	_ =	shalt  }
0x84: {  	_ =	shalt  }
0x85: {  	_ =	shalt  }
0x86: {  	_ =	shalt  }
0x87: {  	_ =	shalt  }
.Lfunc_end0:
.L_simem_size_0:
called_computation_lowered:
.L_overlay_start_0:
0x88: {  	s2 =	sld [smem:$0x3FD9]  }
0x89: {  	s3 =	sld [smem:$0x3FFE];
	_ =	sdelay $0x1  }
0x8a: {  	s1 =	srdreg.scid  }
0x8b: {  	s0 =	sand.u32 $0x1, s1  }
0x8c: {  	s14 =	sshll.u32 s0, $0xA;
	s2 =	sadd.s32 s3, s2  }
0x8d: {  	s2 =	sadd.s32 s2, s14  }
0x8e: {  	[smem:$0x3FBF] =	sst s2  }
0x8f: {  	_ = 	snop  }
0x90: {  	s2 =	sld [smem:$0x3FD0];
	_ =	sdelay $0x2  }
0x91: {  	s4 =	simm.s32 $0xA;
	s5 =	simm.s32 $0x10;
	s15 =	sld [smem:$0x3FC5]  }
0x92: {  	[smem:s5], [sflag:s4] =	dma.local [hbm:s2], $0x1  }
0x93: {  	_ =	swait.eq [sflag:s4], $0x1  }
0x94: {  	[sflag:s4] =	ssyncset.done $0x0  }
0x95: {  	s16 =	sld [smem:$0x10];
	[sflag:s4] =	ssyncadd.s32 $0xFFFFFFFF  }
0x96: {  	s17 =	sld [smem:$0x11];
	(tm) =	ssettm $0x1  }
0x97: {  	s18 =	sld [smem:$0x3FFB];
	_ =	sdelay $0x3  }
0x98: {  	_ =	strace s18  }
0x99: {  	s5 =	sld [smem:$0x3FFC];
	_ =	sdelay $0x3  }
0x9a: {  	_ =	strace s5  }
0x9b: {  	s5 =	sld [smem:$0x3FFD];
	_ =	sdelay $0x3  }
0x9c: {  	_ =	strace s5  }
0x9d: {  	_ =	strace $0x8FFFFFFF  }
0x9e: {  	s19 =	sld [smem:$0x3FDB];
	_ =	sdelay $0x1  }
0x9f: {  	s6 =	simm.s32 $_scs_section_size  }
0xa0: {  	s7 =	simm.s32 $_size__tile_overlayer_lowered;
	s8 =	simm.s32 $_tile_overlayer_lowered  }
0xa1: {  	s22 =	simm.s32 $0x1BFF;
	s21 =	sshll.u32 s8, $0x1;
	s5 =	sadd.s32 s6, s19  }
0xa2: {  	s9 =	simm.s32 $0x0;
	s20 =	sshll.u32 s7, $0x1;
	s7 =	sadd.s32 s21, s5  }
0xa3: {  	[timem:s9], [sflag:s22] =	dma.local [hbm:s7], s20  }
0xa4: {  	_ =	swait.ge [sflag:s22], s20  }
0xa5: {  	s6 =	ssub.s32 $0x0, s20;
	[sflag:s22] =	ssyncset.done $0x0  }
0xa6: {  	[sflag:s22] =	ssyncadd.s32 s6;
	_ =	sdelay $0x1  }
0xa7: {  	s23 =	simm.s32 $0x1B8B  }
0xa8: {  	_ =	swait.ge [sflag:s23], $0x1  }
0xa9: {  	[sflag:s23] =	ssyncset.done $0x0  }
0xaa: {  	s25 =	simm.s32 $0x1B8E;
	s24 =	sld [smem:$0x3FFE];
	[sflag:s23] =	ssyncadd.s32 $0xFFFFFFFF  }
0xab: {  	s26 =	simm.s32 $execute0_lowered;
	[smem:$0x3FD2] =	sst s25  }
0xac: {  	s7 =	sshll.u32 s26, $0x1;
	_ =	strace $0x80000046;
	[dreg:$0x1] =	wrdreg $0xFFFFFFFF  }
0xad: {  	s28 =	simm.s32 $_size_execute0_lowered;
	s5 =	sadd.s32 s5, s7;
	[dreg:$0x0] =	wrdreg $0x0  }
0xae: {  	s7 =	sshll.u32 s28, $0x1;
	[dreg:$0x2] =	wrdreg s5  }
0xaf: {  	[dreg:$0x3] =	wrdreg s7  }
0xb0: {  	[dreg:$0x4] =	wrdreg $0xC0  }
0xb1: {  	_ =	task [dreg:s9], $0x5FFFF  }
0xb2: {  	[dreg:$0x1] =	wrdreg $0xFFFFFFFF  }
0xb3: {  	[dreg:$0x0] =	wrdreg $0x60  }
0xb4: {  	[dreg:$0x2] =	wrdreg s16  }
0xb5: {  	[dreg:$0x3] =	wrdreg s17  }
0xb6: {  	[dreg:$0x4] =	wrdreg s24  }
0xb7: {  	[dreg:$0x5] =	wrdreg s15  }
0xb8: {  	[dreg:$0x6] =	wrdreg $0x0  }
0xb9: {  	[dreg:$0x7] =	wrdreg $0x9  }
0xba: {  	_ =	task.clear_ibuf [dreg:s9], $0x8FFFF;
	_ =	strace $0x90000046  }
0xbb: {  	s29 =	simm.s32 $0x9;
	_ =	strace $0x80000048  }
0xbc: {  	_ =	swait.ge [sflag:s29], $0x1  }
0xbd: {  	[sflag:s29] =	ssyncadd.s32 $0xFFFFFFFF  }
0xbe: {  	_ =	strace $0x90000048  }
0xbf: {  	_ =	sfence  }
0xc0: {  	s30 =	sld [smem:$0x0];
	_ =	sdelay $0x2  }
0xc1: {  	s31 =	sshll.u32 s1, $0xD;
	s1 =	sshrl.u32 s1, $0x2  }
0xc2: {  	s3 =	sand.u32 $0x4000, s31;
	s1 =	sadd.s32 s1, s30  }
0xc3: {  	s0 =	sor.u32 s3, s0;
	s1 =	sshll.u32 s1, $0x11  }
0xc4: {  	s0 =	sor.u32 s1, s0  }
0xc5: {  	s0 =	sadd.s32 $0x8F2B, s0  }
0xc6: {  	[sflag:s0] =	ssyncadd.remote.s32 $0x1  }
0xc7: {  	_ =	sfence.sel $0xFFFF  }
0xc8: {  	[dreg:$0x0] =	wrdreg $0xFFFFFFFF;
	(pc) =	sbr.abs _section_cstart, $3  }
0xc9: {  	[dreg:$0x1] =	wrdreg $0xFFFFFFFF  }
0xca: {  	_ =	task.clear_ibuf [dreg:s9], $0x2FFFF;
	_ =	strace $0x9FFFFFFF  }
0xcb: {  	(tm) =	ssettm $0x7FFFFFFF  }
tec
execute0_lowered:
.L_overlay_start_1:
0x0: {  	(tag) =	ssettag $0x1  }
0x1: {  	s0 =	srdreg.scid;
	s23 =	stileid.u32  }
0x2: {  	s0 =	sand.u32 $0x1, s0;
	s9 =	smul.u32 $0x2800, s23  }
0x3: {  	s8 =	sor.u32 $0x10, s23;
	s24 =	smul.u32 $0x138800, s0  }
0x4: {  	s10 =	sor.u32 $0x20, s23;
	s11 =	smul.u32 $0x2800, s8  }
0x5: {  	s1 =	rddreg [dreg:$0x0];
	s12 =	sor.u32 $0x30, s23;
	s13 =	smul.u32 $0x2800, s10  }
0x6: {  	s2 =	rddreg [dreg:$0x1];
	s14 =	sor.u32 $0x40, s23;
	s15 =	smul.u32 $0x2800, s12  }
0x7: {  	s4 =	rddreg [dreg:$0x2];
	s17 =	sor.u32 $0x50, s23;
	s16 =	smul.u32 $0x2800, s14  }
0x8: {  	s5 =	rddreg [dreg:$0x3];
	s19 =	sor.u32 $0x60, s23;
	s20 =	smul.u32 $0x2800, s17  }
0x9: {  	s6 =	rddreg [dreg:$0x4];
	s7 =	simm.s32 $0x0;
	s21 =	smul.u32 $0x2800, s19  }
0xa: {  	s28 =	simm.s32 $0xA;
	s3 =	sshll.u32 s23, $0x1;
	s8 =	smul.u32 $0xA000, s8  }
0xb: {  	s3 =	sor.u32 s0, s3;
	s0 =	ssub.s32 $0x2, s0;
	s12 =	smul.u32 $0xA000, s12  }
0xc: {  	s30 =	simm.s32 $0x80;
	s14 =	smul.u32 $0xA000, s14;
	s18 =	sshrl.u32 s0, $0x1  }
0xd: {  	[smem:$0x7FF] =	sst s7;
	s3 =	smul.u32 $0x51, s3;
	s0 =	ssub.s32 s0, s18  }
0xe: {  	s18 =	sor.u32 $0x70, s23;
	s9 =	sadd.s32 s24, s9;
	s11 =	sadd.s32 s24, s11  }
0xf: {  	s13 =	sadd.s32 s24, s13;
	s15 =	sadd.s32 s24, s15;
	s16 =	sadd.s32 s24, s16  }
0x10: {  	s20 =	sadd.s32 s24, s20;
	s21 =	sadd.s32 s24, s21;
	s8 =	sshrl.u32 s8, $0x2  }
0x11: {  	[dreg:$0x6] =	wrdreg s3;
	s22 =	smul.u32 $0x2800, s18;
	s9 =	sshrl.u32 s9, $0x3  }
0x12: {  	s25 =	sshrl.u32 s11, $0x3;
	s26 =	sshrl.u32 s13, $0x3;
	s15 =	sshrl.u32 s15, $0x3  }
0x13: {  	s16 =	sshrl.u32 s16, $0x3;
	s20 =	sshrl.u32 s20, $0x3;
	s11 =	smul.u32 $0xA000, s10  }
0x14: {  	s0 =	smax.u32 s0, $0x1;
	s3 =	sadd.s32 s24, s22;
	s22 =	sadd.s32 $0xB600, s4  }
0x15: {  	p0 =	sgt.u32 s18, $0x7C;
	s18 =	smul.u32 $0xA000, s18;
	s9 =	sadd.s32 s22, s9  }
0x16: {  	s10 =	simm.s32 $0x13C00;
	s13 =	sadd.s32 s22, s26;
	[dreg:$0x7] =	wrdreg s9  }
0x17: {  	s24 =	sadd.s32 s22, s20;
	s3 =	sshrl.u32 s3, $0x3;
	[dreg:$0x9] =	wrdreg s13  }
0x18: {  	s26 =	smul.u32 $0xA000, s23;
	s9 =	sadd.s32 s22, s25;
	[dreg:$0xc] =	wrdreg s24  }
0x19: {  	s25 =	sshrl.u32 s21, $0x3;
	s3 =	sadd.s32 s22, s3;
	[dreg:$0x8] =	wrdreg s9  }
0x1a: {  	s9 =	sadd.s32 s22, s15;
	[dreg:$0xe] =	wrdreg s3;
	s15 =	smul.u32 $0xA000, s17  }
0x1b: {  	s13 =	sshrl.u32 s26, $0x2;
	s3 =	sshrl.u32 s11, $0x2;
	s17 =	smul.u32 $0xA000, s19  }
0x1c: {  	s11 =	simm.s32 $0x13980;
	[dreg:$0xa] =	wrdreg s9;
	s9 =	sadd.s32 s22, s16  }
0x1d: {  	s16 =	sadd.s32 $0x1400, s4;
	s24 =	sadd.s32 s13, s6;
	s29 =	sadd.s32 s3, s6  }
0x1e: {  	s3 =	simm.s32 $0x13B80;
	s13 =	simm.s32 $0x13B00;
	[dreg:$0xb] =	wrdreg s9  }
0x1f: {  	s9 =	sadd.s32 s22, s25;
	s25 =	sadd.s32 s8, s6;
	s20 =	sshrl.u32 s15, $0x2  }
0x20: {  	s21 =	sshrl.u32 s17, $0x2;
	s22 =	sshrl.u32 s18, $0x2;
	s8 =	simm.s32 $0x17D00  }
0x21: {  	s15 =	simm.s32 $0x1;
	s17 =	simm.s32 $0x7;
	[dreg:$0xd] =	wrdreg s9  }
0x22: {  	s23 =	sadd.s32 s21, s6;
	_ =	strace $0x80000047;
	[dreg:$0xf] =	wrdreg s0  }
0x23: {  	s18 =	simm.s32 $0x2;
	s26 =	sadd.s32 s22, s6;
	[dreg:$0x16] =	wrdreg s23  }
0x24: {  	s9 =	sshrl.u32 s14, $0x2;
	s14 =	simm.s32 $0x13C80;
	[dreg:$0x17] =	wrdreg s26  }
0x25: {  	s21 =	simm.s32 $0x9;
	s0 =	sshrl.u32 s12, $0x2;
	[dreg:$0x10] =	wrdreg s24  }
0x26: {  	s19 =	sadd.s32 s9, s6;
	s26 =	simm.s32 $0x13D00;
	[dreg:$0x11] =	wrdreg s25  }
0x27: {  	s9 =	simm.s32 $0x13A80;
	s12 =	simm.s32 $0x1BD00;
	[dreg:$0x12] =	wrdreg s29  }
0x28: {  	s31 =	sadd.s32 s0, s6;
	[dreg:$0x14] =	wrdreg s19;
	s0 =	sadd.s32 s20, s6  }
0x29: {  	s23 =	simm.s32 $0x0;
	s19 =	simm.s32 $0x8;
	[dreg:$0x15] =	wrdreg s0  }
0x2a: {  	v0 =	vimm.f32 $0.0e+00;
	s20 =	simm.s32 $0x3;
	s0 =	simm.s32 $0x13900;
	[dreg:$0x13] =	wrdreg s31  }
.LBB2_1:
0x2b: {  	[dreg:$0x18] =	wrdreg s23;
	s4 =	simm.s32 $0x70;
	s22 =	simm.s32 $0x3C0  }
.LBB2_2:
0x2c: {  	p1 =	sne.s32 s22, $0x9FC0;
	[tilespmem:s4+$0x13D00] =	vst v0  }
0x2d: {  	[tilespmem:s4+$0x13C90] =	vst v0  }
0x2e: {  	[tilespmem:s4+$0x13CA0] =	vst v0  }
.Ltmp0:
0x2f: {  	[tilespmem:s4+$0x13CB0] =	vst v0;
	(pc) =	sbr.rel @p1 .LBB2_2-.Ltmp0, $4  }
0x30: {  	[tilespmem:s4+$0x13CC0] =	vst v0  }
0x31: {  	[tilespmem:s4+$0x13CD0] =	vst v0  }
0x32: {  	[tilespmem:s4+$0x13CE0] =	vst v0  }
0x33: {  	[tilespmem:s4+$0x13CF0] =	vst v0;
	s4 =	sshra.s32 s22, $0x2;
	s22 =	sadd.s32 $0x200, s22  }
0x34: {  	[tilespmem:s4+$0x13D00] =	vst v0  }
0x35: {  	[tilespmem:s4+$0x13C90] =	vst v0  }
0x36: {  	[tilespmem:s4+$0x13CA0] =	vst v0  }
0x37: {  	[tilespmem:s4+$0x13CB0] =	vst v0  }
0x38: {  	[tilespmem:s4+$0x13CC0] =	vst v0  }
0x39: {  	[tilespmem:s4+$0x13CD0] =	vst v0  }
0x3a: {  	[tilespmem:s4+$0x13CE0] =	vst v0  }
0x3b: {  	[tilespmem:s4+$0x13CF0] =	vst v0  }
0x3c: {  	[spmem:s24] =	stream.linear.scatter [tilespmem:s26], [sflag:$0xA], $0x2800, $0x38;
	[tilespmem:$0x1FD00] =	vst v63  }
0x3d: {  	_ =	swait.ge [sflag:s28], $0x2800  }
0x3e: {  	[sflag:s28] =	ssyncset.done $0x0  }
0x3f: {  	[sflag:s28] =	ssyncadd.s32 $0xFFFFD800  }
0x40: {  	[spmem:s25] =	stream.linear.scatter [tilespmem:s26], [sflag:$0xA], $0x2800, $0x38;
	[tilespmem:$0x1FD00] =	vst v63  }
0x41: {  	_ =	swait.ge [sflag:s28], $0x2800  }
0x42: {  	[sflag:s28] =	ssyncset.done $0x0  }
0x43: {  	[sflag:s28] =	ssyncadd.s32 $0xFFFFD800  }
0x44: {  	[spmem:s29] =	stream.linear.scatter [tilespmem:s26], [sflag:$0xA], $0x2800, $0x38;
	[tilespmem:$0x1FD00] =	vst v63  }
0x45: {  	_ =	swait.ge [sflag:s28], $0x2800  }
0x46: {  	[sflag:s28] =	ssyncset.done $0x0  }
0x47: {  	[sflag:s28] =	ssyncadd.s32 $0xFFFFD800  }
0x48: {  	[spmem:s31] =	stream.linear.scatter [tilespmem:s26], [sflag:$0xA], $0x2800, $0x38;
	[tilespmem:$0x1FD00] =	vst v63  }
0x49: {  	_ =	swait.ge [sflag:s28], $0x2800  }
0x4a: {  	[sflag:s28] =	ssyncset.done $0x0  }
0x4b: {  	s25 =	rddreg [dreg:$0x14];
	[sflag:s28] =	ssyncadd.s32 $0xFFFFD800  }
0x4c: {  	[spmem:s25] =	stream.linear.scatter [tilespmem:s26], [sflag:$0xA], $0x2800, $0x38;
	[tilespmem:$0x1FD00] =	vst v63  }
0x4d: {  	_ =	swait.ge [sflag:s28], $0x2800  }
0x4e: {  	[sflag:s28] =	ssyncset.done $0x0  }
0x4f: {  	s29 =	rddreg [dreg:$0x15];
	[sflag:s28] =	ssyncadd.s32 $0xFFFFD800  }
0x50: {  	[spmem:s29] =	stream.linear.scatter [tilespmem:s26], [sflag:$0xA], $0x2800, $0x38;
	[tilespmem:$0x1FD00] =	vst v63  }
0x51: {  	_ =	swait.ge [sflag:s28], $0x2800  }
0x52: {  	[sflag:s28] =	ssyncset.done $0x0  }
0x53: {  	s31 =	rddreg [dreg:$0x16];
	[sflag:s28] =	ssyncadd.s32 $0xFFFFD800  }
0x54: {  	[spmem:s31] =	stream.linear.scatter [tilespmem:s26], [sflag:$0xA], $0x2800, $0x38;
	[tilespmem:$0x1FD00] =	vst v63  }
0x55: {  	_ =	swait.ge [sflag:s28], $0x2800  }
0x56: {  	[sflag:s28] =	ssyncset.done $0x0  }
0x57: {  	s4 =	simm.s32 @!p0 $0x13D00;
	s22 =	rddreg [dreg:$0x17];
	[sflag:s28] =	ssyncadd.s32 $0xFFFFD800  }
0x58: {  	[spmem:s22] =	stream.linear.scatter @!p0 [tilespmem:s4], [sflag:$0xA], $0x2800, $0x38;
	[tilespmem:$0x1FD00] =	vst v63  }
0x59: {  	s4 =	simm.s32 @!p0 $0xA  }
0x5a: {  	_ =	swait.ge @!p0 [sflag:s4], $0x2800  }
0x5b: {  	[sflag:s4] =	ssyncset.done @!p0 $0x0  }
0x5c: {  	[sflag:s4] =	ssyncadd.s32 @!p0 $0xFFFFD800  }
0x5d: {  	s23 =	simm.s32 $0x0;
	s24 =	simm.s32 $0x0;
	[bflag:$0x0] =	sbarrier.arrive $0xFFFF  }
.LBB2_4:
0x5e: {  	s4 =	smul.u32 $0x3, s24;
	p1 =	seq.s32 s24, $0x0  }
0x5f: {  	s25 =	rddreg [dreg:$0x6];
	s22 =	simm.s32 @!p1 $0x4  }
0x60: {  	s4 =	sadd.s32 s25, s4;
	_ =	swait.ge @!p1 [sflag:s22], $0x4000  }
0x61: {  	[sflag:s22] =	ssyncset.done @!p1 $0x0;
	s4 =	sshll.u32 s4, $0x4  }
0x62: {  	s31 =	simm.s32 $0x13880;
	[sflag:s22] =	ssyncadd.s32 @!p1 $0xFFFFC000;
	s25 =	sadd.s32 s1, s4  }
0x63: {  	[tilespmem:s31], [sflag:$0xA] =	stream.linear.gather [hbm4b:s25+s7], $0x80, $0x38;
	[tilespmem:$0x1FD00] =	vst v63  }
0x64: {  	_ =	swait.ge [sflag:s28], $0x80  }
0x65: {  	[sflag:s28] =	ssyncset.done $0x0  }
0x66: {  	[sflag:s28] =	ssyncadd.s32 $0xFFFFFF80  }
0x67: {  	[tilespmem:s26], [sflag:$0x1] =	stream.indirect.gather [hbm4b:s5+s30], $0x80, s31, s30, $0xb8;
	[tilespmem:$0x1FD00] =	vst v63  }
0x68: {  	s25 =	sadd.s32 s2, s4;
	s31 =	simm.s32 $0x13A00  }
0x69: {  	[tilespmem:s31], [sflag:$0x7] =	stream.linear.gather [hbm4b:s25+s7], $0x80, $0x38;
	[tilespmem:$0x1FD00] =	vst v63  }
0x6a: {  	s22 =	simm.s32 @!p1 $0x5;
	s25 =	sadd.s32 s16, s4  }
0x6b: {  	[tilespmem:s3], [sflag:$0x7] =	stream.linear.gather [hbm4b:s25+s7], $0x80, $0x38;
	[tilespmem:$0x1FD00] =	vst v63  }
0x6c: {  	_ =	swait.ge @!p1 [sflag:s22], $0x4000  }
0x6d: {  	s25 =	sadd.s32 $0x10, s4;
	[sflag:s22] =	ssyncset.done @!p1 $0x0  }
0x6e: {  	s31 =	sadd.s32 s1, s25;
	[sflag:s22] =	ssyncadd.s32 @!p1 $0xFFFFC000  }
0x6f: {  	[tilespmem:s0], [sflag:$0xA] =	stream.linear.gather [hbm4b:s31+s7], $0x80, $0x38;
	[tilespmem:$0x1FD00] =	vst v63  }
0x70: {  	_ =	swait.ge [sflag:s28], $0x80  }
0x71: {  	[sflag:s28] =	ssyncset.done $0x0  }
0x72: {  	[sflag:s28] =	ssyncadd.s32 $0xFFFFFF80  }
0x73: {  	[tilespmem:s8], [sflag:$0x2] =	stream.indirect.gather [hbm4b:s5+s30], $0x80, s0, s30, $0xb8;
	[tilespmem:$0x1FD00] =	vst v63  }
0x74: {  	s31 =	sadd.s32 s2, s25  }
0x75: {  	[tilespmem:s9], [sflag:$0x8] =	stream.linear.gather [hbm4b:s31+s7], $0x80, $0x38;
	[tilespmem:$0x1FD00] =	vst v63  }
0x76: {  	s22 =	simm.s32 @!p1 $0x6;
	s31 =	sadd.s32 s16, s25  }
0x77: {  	[tilespmem:s10], [sflag:$0x8] =	stream.linear.gather [hbm4b:s31+s7], $0x80, $0x38;
	[tilespmem:$0x1FD00] =	vst v63  }
0x78: {  	_ =	swait.ge @!p1 [sflag:s22], $0x4000  }
0x79: {  	s4 =	sadd.s32 $0x20, s4;
	[sflag:s22] =	ssyncset.done @!p1 $0x0  }
0x7a: {  	s25 =	sadd.s32 s1, s4;
	[sflag:s22] =	ssyncadd.s32 @!p1 $0xFFFFC000  }
0x7b: {  	[tilespmem:s11], [sflag:$0xA] =	stream.linear.gather [hbm4b:s25+s23], $0x80, $0x38;
	[tilespmem:$0x1FD00] =	vst v63  }
0x7c: {  	_ =	swait.ge [sflag:s28], $0x80  }
0x7d: {  	[sflag:s28] =	ssyncset.done $0x0  }
0x7e: {  	[sflag:s28] =	ssyncadd.s32 $0xFFFFFF80  }
0x7f: {  	[tilespmem:s12], [sflag:$0x3] =	stream.indirect.gather [hbm4b:s5+s30], $0x80, s11, s30, $0xb8;
	[tilespmem:$0x1FD00] =	vst v63  }
0x80: {  	s31 =	sadd.s32 s2, s4  }
0x81: {  	[tilespmem:s13], [sflag:$0x9] =	stream.linear.gather [hbm4b:s31+s23], $0x80, $0x38;
	[tilespmem:$0x1FD00] =	vst v63  }
0x82: {  	s4 =	sadd.s32 s16, s4  }
0x83: {  	[tilespmem:s14], [sflag:$0x9] =	stream.linear.gather [hbm4b:s4+s23], $0x80, $0x38;
	[tilespmem:$0x1FD00] =	vst v63  }
0x84: {  	_ =	swait.ge [sflag:s15], $0x4000  }
0x85: {  	v1 =	vmov s23;
	s25 =	simm.s32 $0x2;
	[sflag:s15] =	ssyncset.done $0x0  }
0x86: {  	v1 =	vand.u32 $0xFFFFFFFC, v1;
	v2 =	vmov s25;
	[sflag:s15] =	ssyncadd.s32 $0xFFFFC000  }
0x87: {  	v1 =	vbroadcast v1, $0x0;
	v2 =	vand.u32 $0xFFFFFFFE, v2;
	_ =	swait.ge [sflag:s17], $0x80  }
0x88: {  	v2 =	vbroadcast v2, $0x0;
	[sflag:s17] =	ssyncset.done $0x0  }
0x89: {  	[sflag:s17] =	ssyncadd.s32 $0xFFFFFF80  }
0x8a: {  	_ =	swait.ge [sflag:s17], $0x80  }
0x8b: {  	[sflag:s17] =	ssyncset.done $0x0  }
0x8c: {  	[sflag:s17] =	ssyncadd.s32 $0xFFFFFF80  }
0x8d: {  	v1 =	vld.idx.msk [tilespmem:v1+s3+$0x0], $0xffff  }
0x8e: {  	s25 =	simm.s32 $0x13E00;
	s31 =	simm.s32 $0x1;
	v2 =	vld.idx.msk [tilespmem:v2+s3+$0x0], $0xffff  }
0x8f: {  	v3 =	vmov s31;
	v4 =	vld [tilespmem:s25+$0x70]  }
0x90: {  	v3 =	vand.u32 $0xFFFFFFFD, v3;
	v5 =	vld [tilespmem:s25+$0xFFFFFF00]  }
0x91: {  	v3 =	vbroadcast v3, $0x0;
	v6 =	vld [tilespmem:s25+$0xFFFFFF10]  }
0x92: {  	v7 =	vld [tilespmem:s25+$0xFFFFFF20]  }
0x93: {  	v8 =	vld [tilespmem:s25+$0xFFFFFF30]  }
0x94: {  	v9 =	vld [tilespmem:s25+$0xFFFFFF40]  }
0x95: {  	v10 =	vld [tilespmem:s25+$0xFFFFFF50]  }
0x96: {  	v11 =	vld [tilespmem:s25+$0xFFFFFF60];
	v5 =	vmul.f32 v5, v1  }
0x97: {  	v3 =	vld.idx.msk [tilespmem:v3+s3+$0x0], $0xffff;
	v4 =	vmul.f32 v4, v2  }
0x98: {  	v13 =	vld [tilespmem:s25+$0x40];
	[tilespmem:s25+$0xFFFFFF00] =	vst v5;
	v5 =	vmul.f32 v6, v1  }
0x99: {  	v6 =	vld [tilespmem:s25+$0xFFFFFF70];
	[tilespmem:s25+$0x70] =	vst v4;
	v4 =	vmul.f32 v7, v1  }
0x9a: {  	v7 =	vld [tilespmem:s25+$0xFFFFFF80];
	[tilespmem:s25+$0xFFFFFF10] =	vst v5;
	v5 =	vmul.f32 v8, v1  }
0x9b: {  	v8 =	vld [tilespmem:s25+$0xFFFFFF90];
	[tilespmem:s25+$0xFFFFFF20] =	vst v4;
	v4 =	vmul.f32 v9, v1  }
0x9c: {  	v9 =	vld [tilespmem:s25+$0xFFFFFFA0];
	[tilespmem:s25+$0xFFFFFF30] =	vst v5;
	v5 =	vmul.f32 v10, v1  }
0x9d: {  	v10 =	vld [tilespmem:s25+$0xFFFFFFB0];
	[tilespmem:s25+$0xFFFFFF40] =	vst v4;
	v4 =	vmul.f32 v11, v1  }
0x9e: {  	v11 =	vld [tilespmem:s25+$0xFFFFFFC0];
	v6 =	vmul.f32 v6, v1;
	[tilespmem:s25+$0xFFFFFF50] =	vst v5  }
0x9f: {  	v5 =	vmul.f32 v7, v3;
	v7 =	vld [tilespmem:s25+$0xFFFFFFD0];
	[tilespmem:s25+$0xFFFFFF60] =	vst v4  }
0xa0: {  	s22 =	simm.s32 $0x3;
	v4 =	vld [tilespmem:s25+$0xFFFFFFE0];
	v8 =	vmul.f32 v8, v3;
	[tilespmem:s25+$0xFFFFFF70] =	vst v6  }
0xa1: {  	v12 =	vmov s22;
	v6 =	vld [tilespmem:s25+$0xFFFFFFF0];
	[tilespmem:s25+$0xFFFFFF80] =	vst v5;
	v5 =	vmul.f32 v9, v3  }
0xa2: {  	v9 =	vld [tilespmem:s25+$0x0];
	[tilespmem:s25+$0xFFFFFF90] =	vst v8;
	v8 =	vmul.f32 v10, v3  }
0xa3: {  	v10 =	vld [tilespmem:s25+$0x10];
	[tilespmem:s25+$0xFFFFFFA0] =	vst v5;
	v5 =	vmul.f32 v11, v3  }
0xa4: {  	[tilespmem:s25+$0xFFFFFFB0] =	vst v8;
	v7 =	vmul.f32 v7, v3;
	v8 =	vld [tilespmem:s25+$0x20]  }
0xa5: {  	v11 =	vld [tilespmem:s25+$0x30];
	v4 =	vmul.f32 v4, v3;
	[tilespmem:s25+$0xFFFFFFC0] =	vst v5  }
0xa6: {  	v1 =	vld.idx.msk [tilespmem:v12+s3+$0x0], $0xffff;
	v3 =	vmul.f32 v6, v3;
	[tilespmem:s25+$0xFFFFFFD0] =	vst v7  }
0xa7: {  	[tilespmem:s25+$0xFFFFFFE0] =	vst v4;
	v5 =	vmul.f32 v9, v2;
	v4 =	vld [tilespmem:s25+$0x50]  }
0xa8: {  	s31 =	simm.s32 $0x4;
	[tilespmem:s25+$0xFFFFFFF0] =	vst v3;
	v6 =	vmul.f32 v10, v2;
	v3 =	vld [tilespmem:s25+$0x60]  }
0xa9: {  	s22 =	simm.s32 $0x7;
	v7 =	vmov s31;
	[tilespmem:s25+$0x0] =	vst v5;
	v9 =	vmul.f32 v8, v2;
	v8 =	vld [tilespmem:s25+$0x80]  }
0xaa: {  	s31 =	simm.s32 $0x5;
	v12 =	vand.u32 $0xFFFFFFFC, v7;
	v7 =	vld [tilespmem:s25+$0x90];
	v5 =	vmov s22;
	v10 =	vmul.f32 v11, v2;
	[tilespmem:s25+$0x10] =	vst v6  }
0xab: {  	s29 =	simm.s32 $0x6;
	s4 =	simm.s32 $0x8;
	v11 =	vmul.f32 v13, v2;
	s22 =	simm.s32 $0x13E00;
	v6 =	vbroadcast v12, $0x0;
	v12 =	vmov s31;
	[tilespmem:s25+$0x20] =	vst v9;
	v9 =	vld [tilespmem:s25+$0xA0]  }
.LBB2_5:
0xac: {  	p1 =	slt.u32 s4, $0x7C;
	v12 =	vand.u32 $0xFFFFFFFD, v12;
	v13 =	vmov s29;
	[tilespmem:s25+$0x30] =	vst v10;
	v4 =	vmul.f32 v4, v2;
	v10 =	vld [tilespmem:s25+$0xB0]  }
0xad: {  	v12 =	vbroadcast v12, $0x0;
	v13 =	vand.u32 $0xFFFFFFFE, v13;
	[tilespmem:s25+$0x40] =	vst v11;
	v2 =	vmul.f32 v3, v2;
	v3 =	vld [tilespmem:s25+$0xC0]  }
0xae: {  	v11 =	vbroadcast v13, $0x0;
	[tilespmem:s25+$0x50] =	vst v4;
	v4 =	vmul.f32 v8, v1;
	v8 =	vld [tilespmem:s25+$0xD0]  }
0xaf: {  	[tilespmem:s25+$0x60] =	vst v2;
	v2 =	vmul.f32 v7, v1;
	v7 =	vld [tilespmem:s25+$0xE0]  }
0xb0: {  	[tilespmem:s25+$0x80] =	vst v4;
	v4 =	vmul.f32 v9, v1;
	v9 =	vld [tilespmem:s25+$0xF0]  }
0xb1: {  	v5 =	vld.idx.msk [tilespmem:v5+s3+$0x0], $0xffff;
	[tilespmem:s25+$0x90] =	vst v2;
	v2 =	vmul.f32 v10, v1  }
0xb2: {  	v6 =	vld.idx.msk [tilespmem:v6+s3+$0x0], $0xffff;
	[tilespmem:s25+$0xA0] =	vst v4;
	v3 =	vmul.f32 v3, v1  }
0xb3: {  	v4 =	vld.idx.msk [tilespmem:v12+s3+$0x0], $0xffff;
	[tilespmem:s25+$0xB0] =	vst v2;
	v8 =	vmul.f32 v8, v1  }
0xb4: {  	s25 =	sadd.s32 $0x200, s25;
	v2 =	vld.idx.msk [tilespmem:v11+s3+$0x0], $0xffff;
	[tilespmem:s22+$0xC0] =	vst v3;
	v3 =	vmul.f32 v7, v1  }
0xb5: {  	v7 =	vld [tilespmem:s25+$0x70];
	[tilespmem:s22+$0xD0] =	vst v8;
	v9 =	vmul.f32 v9, v1  }
0xb6: {  	v8 =	vld [tilespmem:s25+$0xFFFFFF00];
	[tilespmem:s22+$0xE0] =	vst v3  }
0xb7: {  	v1 =	vmov v5;
	v3 =	vld [tilespmem:s25+$0xFFFFFF10];
	[tilespmem:s22+$0xF0] =	vst v9;
	s22 =	smov.u32 s25  }
0xb8: {  	v5 =	vld [tilespmem:s25+$0xFFFFFF20]  }
0xb9: {  	v9 =	vld [tilespmem:s25+$0xFFFFFF30]  }
0xba: {  	v10 =	vld [tilespmem:s25+$0xFFFFFF40];
	v7 =	vmul.f32 v7, v2  }
0xbb: {  	v8 =	vmul.f32 v8, v6;
	v11 =	vld [tilespmem:s25+$0xFFFFFF50]  }
0xbc: {  	v3 =	vmul.f32 v3, v6;
	v12 =	vld [tilespmem:s25+$0xFFFFFF60];
	[tilespmem:s25+$0x70] =	vst v7  }
0xbd: {  	[tilespmem:s25+$0xFFFFFF00] =	vst v8;
	v5 =	vmul.f32 v5, v6;
	v7 =	vld [tilespmem:s25+$0xFFFFFF70]  }
0xbe: {  	[tilespmem:s25+$0xFFFFFF10] =	vst v3;
	v3 =	vmul.f32 v9, v6;
	v8 =	vld [tilespmem:s25+$0xFFFFFF80]  }
0xbf: {  	[tilespmem:s25+$0xFFFFFF20] =	vst v5;
	v5 =	vmul.f32 v10, v6;
	v9 =	vld [tilespmem:s25+$0xFFFFFF90]  }
0xc0: {  	[tilespmem:s25+$0xFFFFFF30] =	vst v3;
	v3 =	vmul.f32 v11, v6;
	v10 =	vld [tilespmem:s25+$0xFFFFFFA0]  }
0xc1: {  	[tilespmem:s25+$0xFFFFFF40] =	vst v5;
	v5 =	vmul.f32 v12, v6;
	v11 =	vld [tilespmem:s25+$0xFFFFFFB0]  }
0xc2: {  	[tilespmem:s25+$0xFFFFFF50] =	vst v3;
	v3 =	vmul.f32 v7, v6;
	v6 =	vld [tilespmem:s25+$0xFFFFFFC0]  }
0xc3: {  	[tilespmem:s25+$0xFFFFFF60] =	vst v5;
	v5 =	vmul.f32 v8, v4;
	v7 =	vld [tilespmem:s25+$0xFFFFFFD0]  }
0xc4: {  	[tilespmem:s25+$0xFFFFFF70] =	vst v3;
	v3 =	vmul.f32 v9, v4;
	v8 =	vld [tilespmem:s25+$0xFFFFFFE0]  }
0xc5: {  	[tilespmem:s25+$0xFFFFFF80] =	vst v5;
	v5 =	vmul.f32 v10, v4;
	v9 =	vld [tilespmem:s25+$0xFFFFFFF0]  }
0xc6: {  	[tilespmem:s25+$0xFFFFFF90] =	vst v3;
	v3 =	vmul.f32 v11, v4;
	v10 =	vld [tilespmem:s25+$0x0]  }
0xc7: {  	[tilespmem:s25+$0xFFFFFFA0] =	vst v5;
	v5 =	vmul.f32 v6, v4;
	v6 =	vld [tilespmem:s25+$0x10]  }
0xc8: {  	[tilespmem:s25+$0xFFFFFFB0] =	vst v3;
	v3 =	vmul.f32 v7, v4;
	v7 =	vld [tilespmem:s25+$0x20]  }
0xc9: {  	[tilespmem:s25+$0xFFFFFFC0] =	vst v5;
	v5 =	vmul.f32 v8, v4;
	v11 =	vld [tilespmem:s25+$0x30]  }
0xca: {  	[tilespmem:s25+$0xFFFFFFD0] =	vst v3;
	v3 =	vmul.f32 v9, v4;
	v9 =	vld [tilespmem:s25+$0x40]  }
.Ltmp1:
0xcb: {  	[tilespmem:s25+$0xFFFFFFE0] =	vst v5;
	v5 =	vmul.f32 v10, v2;
	v4 =	vld [tilespmem:s25+$0x50];
	(pc) =	sbr.rel @p1 .LBB2_5-.Ltmp1, $4  }
0xcc: {  	[tilespmem:s25+$0xFFFFFFF0] =	vst v3;
	v6 =	vmul.f32 v6, v2;
	v3 =	vld [tilespmem:s25+$0x60]  }
0xcd: {  	s29 =	sadd.s32 $0x3, s4;
	v10 =	vmov s4;
	[tilespmem:s25+$0x0] =	vst v5;
	v13 =	vmul.f32 v7, v2;
	v8 =	vld [tilespmem:s25+$0x80]  }
0xce: {  	s31 =	sadd.s32 $0x1, s4;
	v12 =	vand.u32 $0xFFFFFFFC, v10;
	v5 =	vmov s29;
	[tilespmem:s25+$0x10] =	vst v6;
	v10 =	vmul.f32 v11, v2;
	v7 =	vld [tilespmem:s25+$0x90]  }
0xcf: {  	s29 =	sadd.s32 $0x2, s4;
	s4 =	sadd.s32 $0x4, s4;
	v6 =	vbroadcast v12, $0x0;
	v12 =	vmov s31;
	[tilespmem:s25+$0x20] =	vst v13;
	v11 =	vmul.f32 v9, v2;
	v9 =	vld [tilespmem:s25+$0xA0]  }
0xd0: {  	v13 =	vld [tilespmem:s25+$0xB0]  }
0xd1: {  	v15 =	vld [tilespmem:s25+$0xC0]  }
0xd2: {  	v14 =	vmov s29;
	v16 =	vld [tilespmem:s25+$0xD0]  }
0xd3: {  	v17 =	vld [tilespmem:s25+$0xE0];
	[tilespmem:s25+$0x30] =	vst v10;
	v4 =	vmul.f32 v4, v2;
	v14 =	vand.u32 $0xFFFFFFFE, v14  }
0xd4: {  	v12 =	vand.u32 $0xFFFFFFFD, v12;
	v5 =	vld.idx.msk [tilespmem:v5+s3+$0x0], $0xffff;
	[tilespmem:s25+$0x40] =	vst v11;
	v2 =	vmul.f32 v3, v2;
	v14 =	vbroadcast v14, $0x0  }
0xd5: {  	s4 =	sadd.s32 $0x200, s25;
	v12 =	vbroadcast v12, $0x0;
	v3 =	vld.idx.msk [tilespmem:v6+s3+$0x0], $0xffff;
	v8 =	vmul.f32 v8, v1;
	[tilespmem:s25+$0x50] =	vst v4  }
0xd6: {  	v10 =	vld [tilespmem:s4+$0xFFFFFF00];
	v4 =	vmul.f32 v7, v1;
	[tilespmem:s25+$0x60] =	vst v2  }
0xd7: {  	[tilespmem:s25+$0x80] =	vst v8;
	v8 =	vld [tilespmem:s25+$0xF0];
	v2 =	vmul.f32 v9, v1  }
0xd8: {  	v11 =	vld [tilespmem:s4+$0xFFFFFF10];
	[tilespmem:s25+$0x90] =	vst v4;
	v4 =	vmul.f32 v13, v1  }
0xd9: {  	v9 =	vld [tilespmem:s4+$0x70];
	[tilespmem:s25+$0xA0] =	vst v2;
	v2 =	vmul.f32 v15, v1  }
0xda: {  	[tilespmem:s25+$0xB0] =	vst v4;
	v4 =	vmul.f32 v16, v1;
	v7 =	vld.idx.msk [tilespmem:v14+s3+$0x0], $0xffff  }
0xdb: {  	v6 =	vld.idx.msk [tilespmem:v12+s3+$0x0], $0xffff;
	[tilespmem:s22+$0xC0] =	vst v2;
	v2 =	vmul.f32 v17, v1  }
0xdc: {  	v12 =	vld [tilespmem:s4+$0xFFFFFF20];
	[tilespmem:s22+$0xD0] =	vst v4;
	v1 =	vmul.f32 v8, v1  }
0xdd: {  	v4 =	vld [tilespmem:s4+$0xFFFFFF30];
	[tilespmem:s22+$0xE0] =	vst v2  }
0xde: {  	v2 =	vld [tilespmem:s4+$0xFFFFFF40];
	[tilespmem:s22+$0xF0] =	vst v1;
	v1 =	vmul.f32 v10, v3  }
0xdf: {  	v8 =	vmul.f32 v9, v7;
	v9 =	vld [tilespmem:s4+$0xFFFFFF50]  }
0xe0: {  	v10 =	vmul.f32 v11, v3;
	v11 =	vld [tilespmem:s4+$0xFFFFFF60];
	[tilespmem:s4+$0xFFFFFF00] =	vst v1  }
0xe1: {  	v1 =	vmul.f32 v12, v3;
	[tilespmem:s4+$0x70] =	vst v8;
	v8 =	vld [tilespmem:s4+$0xFFFFFF70]  }
0xe2: {  	[tilespmem:s4+$0xFFFFFF10] =	vst v10;
	v10 =	vld [tilespmem:s4+$0xFFFFFF80];
	v4 =	vmul.f32 v4, v3  }
0xe3: {  	[tilespmem:s4+$0xFFFFFF20] =	vst v1;
	v1 =	vmul.f32 v2, v3;
	v2 =	vld [tilespmem:s4+$0xFFFFFF90]  }
0xe4: {  	[tilespmem:s4+$0xFFFFFF30] =	vst v4;
	v4 =	vmul.f32 v9, v3;
	v9 =	vld [tilespmem:s4+$0xFFFFFFA0]  }
0xe5: {  	[tilespmem:s4+$0xFFFFFF40] =	vst v1;
	v1 =	vmul.f32 v11, v3;
	v11 =	vld [tilespmem:s4+$0xFFFFFFB0]  }
0xe6: {  	[tilespmem:s4+$0xFFFFFF50] =	vst v4;
	v3 =	vmul.f32 v8, v3;
	v4 =	vld [tilespmem:s4+$0xFFFFFFC0]  }
0xe7: {  	[tilespmem:s4+$0xFFFFFF60] =	vst v1;
	v1 =	vmul.f32 v10, v6;
	v8 =	vld [tilespmem:s4+$0xFFFFFFD0]  }
0xe8: {  	v2 =	vmul.f32 v2, v6;
	[tilespmem:s4+$0xFFFFFF70] =	vst v3;
	v3 =	vld [tilespmem:s4+$0xFFFFFFE0]  }
0xe9: {  	[tilespmem:s4+$0xFFFFFF80] =	vst v1;
	v1 =	vmul.f32 v9, v6;
	v9 =	vld [tilespmem:s4+$0xFFFFFFF0]  }
0xea: {  	v10 =	vld [tilespmem:s4+$0x0];
	[tilespmem:s4+$0xFFFFFF90] =	vst v2;
	v2 =	vmul.f32 v11, v6  }
0xeb: {  	[tilespmem:s4+$0xFFFFFFA0] =	vst v1;
	v1 =	vmul.f32 v4, v6;
	v4 =	vld [tilespmem:s4+$0x10]  }
0xec: {  	[tilespmem:s4+$0xFFFFFFB0] =	vst v2;
	v2 =	vmul.f32 v8, v6;
	v8 =	vld [tilespmem:s4+$0x20]  }
0xed: {  	[tilespmem:s4+$0xFFFFFFC0] =	vst v1;
	v1 =	vmul.f32 v3, v6;
	v3 =	vld [tilespmem:s4+$0x30]  }
0xee: {  	[tilespmem:s4+$0xFFFFFFD0] =	vst v2;
	v2 =	vmul.f32 v9, v6;
	v6 =	vld [tilespmem:s4+$0x40]  }
0xef: {  	v9 =	vld [tilespmem:s4+$0x50];
	[tilespmem:s4+$0xFFFFFFE0] =	vst v1;
	v1 =	vmul.f32 v10, v7  }
0xf0: {  	[tilespmem:s4+$0xFFFFFFF0] =	vst v2;
	v2 =	vmul.f32 v4, v7;
	v4 =	vld [tilespmem:s4+$0x60]  }
0xf1: {  	[tilespmem:s4+$0x0] =	vst v1;
	v1 =	vmul.f32 v8, v7;
	v8 =	vld [tilespmem:s4+$0x80]  }
0xf2: {  	[tilespmem:s4+$0x10] =	vst v2;
	v2 =	vmul.f32 v3, v7;
	v3 =	vld [tilespmem:s4+$0x90]  }
0xf3: {  	[tilespmem:s4+$0x20] =	vst v1;
	v1 =	vmul.f32 v6, v7;
	v6 =	vld [tilespmem:s4+$0xA0]  }
0xf4: {  	[tilespmem:s4+$0x30] =	vst v2;
	v2 =	vmul.f32 v9, v7;
	v9 =	vld [tilespmem:s4+$0xB0]  }
0xf5: {  	[tilespmem:s4+$0x40] =	vst v1;
	v1 =	vmul.f32 v4, v7;
	v4 =	vld [tilespmem:s4+$0xC0]  }
0xf6: {  	v7 =	vld [tilespmem:s4+$0xD0];
	[tilespmem:s4+$0x50] =	vst v2;
	v2 =	vmul.f32 v8, v5  }
0xf7: {  	[tilespmem:s4+$0x60] =	vst v1;
	v1 =	vmul.f32 v3, v5;
	v3 =	vld [tilespmem:s4+$0xE0]  }
0xf8: {  	[tilespmem:s4+$0x80] =	vst v2;
	v2 =	vmul.f32 v6, v5;
	v6 =	vld [tilespmem:s4+$0xF0]  }
0xf9: {  	[tilespmem:s4+$0x90] =	vst v1;
	v1 =	vmul.f32 v9, v5  }
0xfa: {  	[tilespmem:s4+$0xA0] =	vst v2;
	v2 =	vmul.f32 v4, v5  }
0xfb: {  	[tilespmem:s4+$0xB0] =	vst v1;
	v1 =	vmul.f32 v7, v5  }
0xfc: {  	[tilespmem:s4+$0xC0] =	vst v2;
	v2 =	vmul.f32 v3, v5  }
0xfd: {  	[tilespmem:s4+$0xD0] =	vst v1;
	v1 =	vmul.f32 v6, v5  }
0xfe: {  	[tilespmem:s4+$0xE0] =	vst v2  }
0xff: {  	s31 =	simm.s32 $0x13A00;
	[tilespmem:s4+$0xF0] =	vst v1  }
0x100: {  	[spmem:s6] =	stream.indirect.scatter.add.f32 [tilespmem:s26], [sflag:$0x4], $0x80, s31, s30, $0xb8;
	[tilespmem:$0x1FD00] =	vst v63  }
0x101: {  	s22 =	simm.s32 $0x0;
	_ =	swait.ge [sflag:s18], $0x4000  }
0x102: {  	s25 =	simm.s32 $0x2;
	v1 =	vmov s22;
	[sflag:s18] =	ssyncset.done $0x0  }
0x103: {  	v2 =	vmov s25;
	v1 =	vand.u32 $0xFFFFFFFC, v1;
	[sflag:s18] =	ssyncadd.s32 $0xFFFFC000  }
0x104: {  	v2 =	vand.u32 $0xFFFFFFFE, v2;
	v1 =	vbroadcast v1, $0x0;
	_ =	swait.ge [sflag:s19], $0x80  }
0x105: {  	v2 =	vbroadcast v2, $0x0;
	[sflag:s19] =	ssyncset.done $0x0  }
0x106: {  	[sflag:s19] =	ssyncadd.s32 $0xFFFFFF80  }
0x107: {  	_ =	swait.ge [sflag:s19], $0x80  }
0x108: {  	[sflag:s19] =	ssyncset.done $0x0  }
0x109: {  	[sflag:s19] =	ssyncadd.s32 $0xFFFFFF80  }
0x10a: {  	v1 =	vld.idx.msk [tilespmem:v1+s10+$0x0], $0xffff  }
0x10b: {  	s25 =	simm.s32 $0x17E00;
	s31 =	simm.s32 $0x1;
	v2 =	vld.idx.msk [tilespmem:v2+s10+$0x0], $0xffff  }
0x10c: {  	v3 =	vmov s31;
	v4 =	vld [tilespmem:s25+$0x70]  }
0x10d: {  	v3 =	vand.u32 $0xFFFFFFFD, v3;
	v5 =	vld [tilespmem:s25+$0xFFFFFF00]  }
0x10e: {  	v3 =	vbroadcast v3, $0x0;
	v6 =	vld [tilespmem:s25+$0xFFFFFF10]  }
0x10f: {  	v7 =	vld [tilespmem:s25+$0xFFFFFF20]  }
0x110: {  	v8 =	vld [tilespmem:s25+$0xFFFFFF30]  }
0x111: {  	v9 =	vld [tilespmem:s25+$0xFFFFFF40]  }
0x112: {  	v10 =	vld [tilespmem:s25+$0xFFFFFF50]  }
0x113: {  	v11 =	vld [tilespmem:s25+$0xFFFFFF60];
	v5 =	vmul.f32 v5, v1  }
0x114: {  	v3 =	vld.idx.msk [tilespmem:v3+s10+$0x0], $0xffff;
	v4 =	vmul.f32 v4, v2  }
0x115: {  	v13 =	vld [tilespmem:s25+$0x40];
	[tilespmem:s25+$0xFFFFFF00] =	vst v5;
	v5 =	vmul.f32 v6, v1  }
0x116: {  	v6 =	vld [tilespmem:s25+$0xFFFFFF70];
	[tilespmem:s25+$0x70] =	vst v4;
	v4 =	vmul.f32 v7, v1  }
0x117: {  	v7 =	vld [tilespmem:s25+$0xFFFFFF80];
	[tilespmem:s25+$0xFFFFFF10] =	vst v5;
	v5 =	vmul.f32 v8, v1  }
0x118: {  	v8 =	vld [tilespmem:s25+$0xFFFFFF90];
	[tilespmem:s25+$0xFFFFFF20] =	vst v4;
	v4 =	vmul.f32 v9, v1  }
0x119: {  	v9 =	vld [tilespmem:s25+$0xFFFFFFA0];
	[tilespmem:s25+$0xFFFFFF30] =	vst v5;
	v5 =	vmul.f32 v10, v1  }
0x11a: {  	v10 =	vld [tilespmem:s25+$0xFFFFFFB0];
	[tilespmem:s25+$0xFFFFFF40] =	vst v4;
	v4 =	vmul.f32 v11, v1  }
0x11b: {  	v11 =	vld [tilespmem:s25+$0xFFFFFFC0];
	v6 =	vmul.f32 v6, v1;
	[tilespmem:s25+$0xFFFFFF50] =	vst v5  }
0x11c: {  	v5 =	vmul.f32 v7, v3;
	v7 =	vld [tilespmem:s25+$0xFFFFFFD0];
	[tilespmem:s25+$0xFFFFFF60] =	vst v4  }
0x11d: {  	s22 =	simm.s32 $0x3;
	v4 =	vld [tilespmem:s25+$0xFFFFFFE0];
	v8 =	vmul.f32 v8, v3;
	[tilespmem:s25+$0xFFFFFF70] =	vst v6  }
0x11e: {  	v12 =	vmov s22;
	v6 =	vld [tilespmem:s25+$0xFFFFFFF0];
	[tilespmem:s25+$0xFFFFFF80] =	vst v5;
	v5 =	vmul.f32 v9, v3  }
0x11f: {  	v9 =	vld [tilespmem:s25+$0x0];
	[tilespmem:s25+$0xFFFFFF90] =	vst v8;
	v8 =	vmul.f32 v10, v3  }
0x120: {  	v10 =	vld [tilespmem:s25+$0x10];
	[tilespmem:s25+$0xFFFFFFA0] =	vst v5;
	v5 =	vmul.f32 v11, v3  }
0x121: {  	[tilespmem:s25+$0xFFFFFFB0] =	vst v8;
	v7 =	vmul.f32 v7, v3;
	v8 =	vld [tilespmem:s25+$0x20]  }
0x122: {  	v11 =	vld [tilespmem:s25+$0x30];
	v4 =	vmul.f32 v4, v3;
	[tilespmem:s25+$0xFFFFFFC0] =	vst v5  }
0x123: {  	v1 =	vld.idx.msk [tilespmem:v12+s10+$0x0], $0xffff;
	v3 =	vmul.f32 v6, v3;
	[tilespmem:s25+$0xFFFFFFD0] =	vst v7  }
0x124: {  	[tilespmem:s25+$0xFFFFFFE0] =	vst v4;
	v5 =	vmul.f32 v9, v2;
	v4 =	vld [tilespmem:s25+$0x50]  }
0x125: {  	s31 =	simm.s32 $0x4;
	[tilespmem:s25+$0xFFFFFFF0] =	vst v3;
	v6 =	vmul.f32 v10, v2;
	v3 =	vld [tilespmem:s25+$0x60]  }
0x126: {  	s22 =	simm.s32 $0x7;
	v7 =	vmov s31;
	[tilespmem:s25+$0x0] =	vst v5;
	v9 =	vmul.f32 v8, v2;
	v8 =	vld [tilespmem:s25+$0x80]  }
0x127: {  	s31 =	simm.s32 $0x5;
	v12 =	vand.u32 $0xFFFFFFFC, v7;
	v7 =	vld [tilespmem:s25+$0x90];
	v5 =	vmov s22;
	v10 =	vmul.f32 v11, v2;
	[tilespmem:s25+$0x10] =	vst v6  }
0x128: {  	s29 =	simm.s32 $0x6;
	s4 =	simm.s32 $0x8;
	v11 =	vmul.f32 v13, v2;
	s22 =	simm.s32 $0x17E00;
	v6 =	vbroadcast v12, $0x0;
	v12 =	vmov s31;
	[tilespmem:s25+$0x20] =	vst v9;
	v9 =	vld [tilespmem:s25+$0xA0]  }
.LBB2_7:
0x129: {  	p1 =	slt.u32 s4, $0x7C;
	v12 =	vand.u32 $0xFFFFFFFD, v12;
	v13 =	vmov s29;
	[tilespmem:s25+$0x30] =	vst v10;
	v4 =	vmul.f32 v4, v2;
	v10 =	vld [tilespmem:s25+$0xB0]  }
0x12a: {  	v12 =	vbroadcast v12, $0x0;
	v13 =	vand.u32 $0xFFFFFFFE, v13;
	[tilespmem:s25+$0x40] =	vst v11;
	v2 =	vmul.f32 v3, v2;
	v3 =	vld [tilespmem:s25+$0xC0]  }
0x12b: {  	v11 =	vbroadcast v13, $0x0;
	[tilespmem:s25+$0x50] =	vst v4;
	v4 =	vmul.f32 v8, v1;
	v8 =	vld [tilespmem:s25+$0xD0]  }
0x12c: {  	[tilespmem:s25+$0x60] =	vst v2;
	v2 =	vmul.f32 v7, v1;
	v7 =	vld [tilespmem:s25+$0xE0]  }
0x12d: {  	[tilespmem:s25+$0x80] =	vst v4;
	v4 =	vmul.f32 v9, v1;
	v9 =	vld [tilespmem:s25+$0xF0]  }
0x12e: {  	v5 =	vld.idx.msk [tilespmem:v5+s10+$0x0], $0xffff;
	[tilespmem:s25+$0x90] =	vst v2;
	v2 =	vmul.f32 v10, v1  }
0x12f: {  	v6 =	vld.idx.msk [tilespmem:v6+s10+$0x0], $0xffff;
	[tilespmem:s25+$0xA0] =	vst v4;
	v3 =	vmul.f32 v3, v1  }
0x130: {  	v4 =	vld.idx.msk [tilespmem:v12+s10+$0x0], $0xffff;
	[tilespmem:s25+$0xB0] =	vst v2;
	v8 =	vmul.f32 v8, v1  }
0x131: {  	s25 =	sadd.s32 $0x200, s25;
	v2 =	vld.idx.msk [tilespmem:v11+s10+$0x0], $0xffff;
	[tilespmem:s22+$0xC0] =	vst v3;
	v3 =	vmul.f32 v7, v1  }
0x132: {  	v7 =	vld [tilespmem:s25+$0x70];
	[tilespmem:s22+$0xD0] =	vst v8;
	v9 =	vmul.f32 v9, v1  }
0x133: {  	v8 =	vld [tilespmem:s25+$0xFFFFFF00];
	[tilespmem:s22+$0xE0] =	vst v3  }
0x134: {  	v1 =	vmov v5;
	v3 =	vld [tilespmem:s25+$0xFFFFFF10];
	[tilespmem:s22+$0xF0] =	vst v9;
	s22 =	smov.u32 s25  }
0x135: {  	v5 =	vld [tilespmem:s25+$0xFFFFFF20]  }
0x136: {  	v9 =	vld [tilespmem:s25+$0xFFFFFF30]  }
0x137: {  	v10 =	vld [tilespmem:s25+$0xFFFFFF40];
	v7 =	vmul.f32 v7, v2  }
0x138: {  	v8 =	vmul.f32 v8, v6;
	v11 =	vld [tilespmem:s25+$0xFFFFFF50]  }
0x139: {  	v3 =	vmul.f32 v3, v6;
	v12 =	vld [tilespmem:s25+$0xFFFFFF60];
	[tilespmem:s25+$0x70] =	vst v7  }
0x13a: {  	[tilespmem:s25+$0xFFFFFF00] =	vst v8;
	v5 =	vmul.f32 v5, v6;
	v7 =	vld [tilespmem:s25+$0xFFFFFF70]  }
0x13b: {  	[tilespmem:s25+$0xFFFFFF10] =	vst v3;
	v3 =	vmul.f32 v9, v6;
	v8 =	vld [tilespmem:s25+$0xFFFFFF80]  }
0x13c: {  	[tilespmem:s25+$0xFFFFFF20] =	vst v5;
	v5 =	vmul.f32 v10, v6;
	v9 =	vld [tilespmem:s25+$0xFFFFFF90]  }
0x13d: {  	[tilespmem:s25+$0xFFFFFF30] =	vst v3;
	v3 =	vmul.f32 v11, v6;
	v10 =	vld [tilespmem:s25+$0xFFFFFFA0]  }
0x13e: {  	[tilespmem:s25+$0xFFFFFF40] =	vst v5;
	v5 =	vmul.f32 v12, v6;
	v11 =	vld [tilespmem:s25+$0xFFFFFFB0]  }
0x13f: {  	[tilespmem:s25+$0xFFFFFF50] =	vst v3;
	v3 =	vmul.f32 v7, v6;
	v6 =	vld [tilespmem:s25+$0xFFFFFFC0]  }
0x140: {  	[tilespmem:s25+$0xFFFFFF60] =	vst v5;
	v5 =	vmul.f32 v8, v4;
	v7 =	vld [tilespmem:s25+$0xFFFFFFD0]  }
0x141: {  	[tilespmem:s25+$0xFFFFFF70] =	vst v3;
	v3 =	vmul.f32 v9, v4;
	v8 =	vld [tilespmem:s25+$0xFFFFFFE0]  }
0x142: {  	[tilespmem:s25+$0xFFFFFF80] =	vst v5;
	v5 =	vmul.f32 v10, v4;
	v9 =	vld [tilespmem:s25+$0xFFFFFFF0]  }
0x143: {  	[tilespmem:s25+$0xFFFFFF90] =	vst v3;
	v3 =	vmul.f32 v11, v4;
	v10 =	vld [tilespmem:s25+$0x0]  }
0x144: {  	[tilespmem:s25+$0xFFFFFFA0] =	vst v5;
	v5 =	vmul.f32 v6, v4;
	v6 =	vld [tilespmem:s25+$0x10]  }
0x145: {  	[tilespmem:s25+$0xFFFFFFB0] =	vst v3;
	v3 =	vmul.f32 v7, v4;
	v7 =	vld [tilespmem:s25+$0x20]  }
0x146: {  	[tilespmem:s25+$0xFFFFFFC0] =	vst v5;
	v5 =	vmul.f32 v8, v4;
	v11 =	vld [tilespmem:s25+$0x30]  }
0x147: {  	[tilespmem:s25+$0xFFFFFFD0] =	vst v3;
	v3 =	vmul.f32 v9, v4;
	v9 =	vld [tilespmem:s25+$0x40]  }
.Ltmp2:
0x148: {  	[tilespmem:s25+$0xFFFFFFE0] =	vst v5;
	v5 =	vmul.f32 v10, v2;
	v4 =	vld [tilespmem:s25+$0x50];
	(pc) =	sbr.rel @p1 .LBB2_7-.Ltmp2, $4  }
0x149: {  	[tilespmem:s25+$0xFFFFFFF0] =	vst v3;
	v6 =	vmul.f32 v6, v2;
	v3 =	vld [tilespmem:s25+$0x60]  }
0x14a: {  	s29 =	sadd.s32 $0x3, s4;
	v10 =	vmov s4;
	[tilespmem:s25+$0x0] =	vst v5;
	v13 =	vmul.f32 v7, v2;
	v8 =	vld [tilespmem:s25+$0x80]  }
0x14b: {  	s31 =	sadd.s32 $0x1, s4;
	v12 =	vand.u32 $0xFFFFFFFC, v10;
	v5 =	vmov s29;
	[tilespmem:s25+$0x10] =	vst v6;
	v10 =	vmul.f32 v11, v2;
	v7 =	vld [tilespmem:s25+$0x90]  }
0x14c: {  	s29 =	sadd.s32 $0x2, s4;
	s4 =	sadd.s32 $0x4, s4;
	v6 =	vbroadcast v12, $0x0;
	v12 =	vmov s31;
	[tilespmem:s25+$0x20] =	vst v13;
	v11 =	vmul.f32 v9, v2;
	v9 =	vld [tilespmem:s25+$0xA0]  }
0x14d: {  	v13 =	vld [tilespmem:s25+$0xB0]  }
0x14e: {  	v15 =	vld [tilespmem:s25+$0xC0]  }
0x14f: {  	v14 =	vmov s29;
	v16 =	vld [tilespmem:s25+$0xD0]  }
0x150: {  	v17 =	vld [tilespmem:s25+$0xE0];
	[tilespmem:s25+$0x30] =	vst v10;
	v4 =	vmul.f32 v4, v2;
	v14 =	vand.u32 $0xFFFFFFFE, v14  }
0x151: {  	v12 =	vand.u32 $0xFFFFFFFD, v12;
	v5 =	vld.idx.msk [tilespmem:v5+s10+$0x0], $0xffff;
	[tilespmem:s25+$0x40] =	vst v11;
	v2 =	vmul.f32 v3, v2;
	v14 =	vbroadcast v14, $0x0  }
0x152: {  	s4 =	sadd.s32 $0x200, s25;
	v12 =	vbroadcast v12, $0x0;
	v3 =	vld.idx.msk [tilespmem:v6+s10+$0x0], $0xffff;
	v8 =	vmul.f32 v8, v1;
	[tilespmem:s25+$0x50] =	vst v4  }
0x153: {  	v10 =	vld [tilespmem:s4+$0xFFFFFF00];
	v4 =	vmul.f32 v7, v1;
	[tilespmem:s25+$0x60] =	vst v2  }
0x154: {  	[tilespmem:s25+$0x80] =	vst v8;
	v8 =	vld [tilespmem:s25+$0xF0];
	v2 =	vmul.f32 v9, v1  }
0x155: {  	v11 =	vld [tilespmem:s4+$0xFFFFFF10];
	[tilespmem:s25+$0x90] =	vst v4;
	v4 =	vmul.f32 v13, v1  }
0x156: {  	v9 =	vld [tilespmem:s4+$0x70];
	[tilespmem:s25+$0xA0] =	vst v2;
	v2 =	vmul.f32 v15, v1  }
0x157: {  	[tilespmem:s25+$0xB0] =	vst v4;
	v4 =	vmul.f32 v16, v1;
	v7 =	vld.idx.msk [tilespmem:v14+s10+$0x0], $0xffff  }
0x158: {  	v6 =	vld.idx.msk [tilespmem:v12+s10+$0x0], $0xffff;
	[tilespmem:s22+$0xC0] =	vst v2;
	v2 =	vmul.f32 v17, v1  }
0x159: {  	v12 =	vld [tilespmem:s4+$0xFFFFFF20];
	[tilespmem:s22+$0xD0] =	vst v4;
	v1 =	vmul.f32 v8, v1  }
0x15a: {  	v4 =	vld [tilespmem:s4+$0xFFFFFF30];
	[tilespmem:s22+$0xE0] =	vst v2  }
0x15b: {  	v2 =	vld [tilespmem:s4+$0xFFFFFF40];
	[tilespmem:s22+$0xF0] =	vst v1;
	v1 =	vmul.f32 v10, v3  }
0x15c: {  	v8 =	vmul.f32 v9, v7;
	v9 =	vld [tilespmem:s4+$0xFFFFFF50]  }
0x15d: {  	v10 =	vmul.f32 v11, v3;
	v11 =	vld [tilespmem:s4+$0xFFFFFF60];
	[tilespmem:s4+$0xFFFFFF00] =	vst v1  }
0x15e: {  	v1 =	vmul.f32 v12, v3;
	[tilespmem:s4+$0x70] =	vst v8;
	v8 =	vld [tilespmem:s4+$0xFFFFFF70]  }
0x15f: {  	[tilespmem:s4+$0xFFFFFF10] =	vst v10;
	v10 =	vld [tilespmem:s4+$0xFFFFFF80];
	v4 =	vmul.f32 v4, v3  }
0x160: {  	[tilespmem:s4+$0xFFFFFF20] =	vst v1;
	v1 =	vmul.f32 v2, v3;
	v2 =	vld [tilespmem:s4+$0xFFFFFF90]  }
0x161: {  	[tilespmem:s4+$0xFFFFFF30] =	vst v4;
	v4 =	vmul.f32 v9, v3;
	v9 =	vld [tilespmem:s4+$0xFFFFFFA0]  }
0x162: {  	[tilespmem:s4+$0xFFFFFF40] =	vst v1;
	v1 =	vmul.f32 v11, v3;
	v11 =	vld [tilespmem:s4+$0xFFFFFFB0]  }
0x163: {  	[tilespmem:s4+$0xFFFFFF50] =	vst v4;
	v3 =	vmul.f32 v8, v3;
	v4 =	vld [tilespmem:s4+$0xFFFFFFC0]  }
0x164: {  	[tilespmem:s4+$0xFFFFFF60] =	vst v1;
	v1 =	vmul.f32 v10, v6;
	v8 =	vld [tilespmem:s4+$0xFFFFFFD0]  }
0x165: {  	v2 =	vmul.f32 v2, v6;
	[tilespmem:s4+$0xFFFFFF70] =	vst v3;
	v3 =	vld [tilespmem:s4+$0xFFFFFFE0]  }
0x166: {  	[tilespmem:s4+$0xFFFFFF80] =	vst v1;
	v1 =	vmul.f32 v9, v6;
	v9 =	vld [tilespmem:s4+$0xFFFFFFF0]  }
0x167: {  	v10 =	vld [tilespmem:s4+$0x0];
	[tilespmem:s4+$0xFFFFFF90] =	vst v2;
	v2 =	vmul.f32 v11, v6  }
0x168: {  	[tilespmem:s4+$0xFFFFFFA0] =	vst v1;
	v1 =	vmul.f32 v4, v6;
	v4 =	vld [tilespmem:s4+$0x10]  }
0x169: {  	[tilespmem:s4+$0xFFFFFFB0] =	vst v2;
	v2 =	vmul.f32 v8, v6;
	v8 =	vld [tilespmem:s4+$0x20]  }
0x16a: {  	[tilespmem:s4+$0xFFFFFFC0] =	vst v1;
	v1 =	vmul.f32 v3, v6;
	v3 =	vld [tilespmem:s4+$0x30]  }
0x16b: {  	[tilespmem:s4+$0xFFFFFFD0] =	vst v2;
	v2 =	vmul.f32 v9, v6;
	v6 =	vld [tilespmem:s4+$0x40]  }
0x16c: {  	v9 =	vld [tilespmem:s4+$0x50];
	[tilespmem:s4+$0xFFFFFFE0] =	vst v1;
	v1 =	vmul.f32 v10, v7  }
0x16d: {  	[tilespmem:s4+$0xFFFFFFF0] =	vst v2;
	v2 =	vmul.f32 v4, v7;
	v4 =	vld [tilespmem:s4+$0x60]  }
0x16e: {  	[tilespmem:s4+$0x0] =	vst v1;
	v1 =	vmul.f32 v8, v7;
	v8 =	vld [tilespmem:s4+$0x80]  }
0x16f: {  	[tilespmem:s4+$0x10] =	vst v2;
	v2 =	vmul.f32 v3, v7;
	v3 =	vld [tilespmem:s4+$0x90]  }
0x170: {  	[tilespmem:s4+$0x20] =	vst v1;
	v1 =	vmul.f32 v6, v7;
	v6 =	vld [tilespmem:s4+$0xA0]  }
0x171: {  	[tilespmem:s4+$0x30] =	vst v2;
	v2 =	vmul.f32 v9, v7;
	v9 =	vld [tilespmem:s4+$0xB0]  }
0x172: {  	[tilespmem:s4+$0x40] =	vst v1;
	v1 =	vmul.f32 v4, v7;
	v4 =	vld [tilespmem:s4+$0xC0]  }
0x173: {  	v7 =	vld [tilespmem:s4+$0xD0];
	[tilespmem:s4+$0x50] =	vst v2;
	v2 =	vmul.f32 v8, v5  }
0x174: {  	[tilespmem:s4+$0x60] =	vst v1;
	v1 =	vmul.f32 v3, v5;
	v3 =	vld [tilespmem:s4+$0xE0]  }
0x175: {  	[tilespmem:s4+$0x80] =	vst v2;
	v2 =	vmul.f32 v6, v5;
	v6 =	vld [tilespmem:s4+$0xF0]  }
0x176: {  	[tilespmem:s4+$0x90] =	vst v1;
	v1 =	vmul.f32 v9, v5  }
0x177: {  	[tilespmem:s4+$0xA0] =	vst v2;
	v2 =	vmul.f32 v4, v5  }
0x178: {  	[tilespmem:s4+$0xB0] =	vst v1;
	v1 =	vmul.f32 v7, v5  }
0x179: {  	[tilespmem:s4+$0xC0] =	vst v2;
	v2 =	vmul.f32 v3, v5  }
0x17a: {  	[tilespmem:s4+$0xD0] =	vst v1;
	v1 =	vmul.f32 v6, v5  }
0x17b: {  	[tilespmem:s4+$0xE0] =	vst v2  }
0x17c: {  	[tilespmem:s4+$0xF0] =	vst v1  }
0x17d: {  	[spmem:s6] =	stream.indirect.scatter.add.f32 [tilespmem:s8], [sflag:$0x5], $0x80, s9, s30, $0xb8;
	[tilespmem:$0x1FD00] =	vst v63  }
0x17e: {  	s22 =	simm.s32 $0x0;
	_ =	swait.ge [sflag:s20], $0x4000  }
0x17f: {  	s25 =	simm.s32 $0x2;
	v1 =	vmov s22;
	[sflag:s20] =	ssyncset.done $0x0  }
0x180: {  	v2 =	vmov s25;
	v1 =	vand.u32 $0xFFFFFFFC, v1;
	[sflag:s20] =	ssyncadd.s32 $0xFFFFC000  }
0x181: {  	v2 =	vand.u32 $0xFFFFFFFE, v2;
	v1 =	vbroadcast v1, $0x0;
	_ =	swait.ge [sflag:s21], $0x80  }
0x182: {  	v2 =	vbroadcast v2, $0x0;
	[sflag:s21] =	ssyncset.done $0x0  }
0x183: {  	[sflag:s21] =	ssyncadd.s32 $0xFFFFFF80  }
0x184: {  	_ =	swait.ge [sflag:s21], $0x80  }
0x185: {  	[sflag:s21] =	ssyncset.done $0x0  }
0x186: {  	[sflag:s21] =	ssyncadd.s32 $0xFFFFFF80  }
0x187: {  	v1 =	vld.idx.msk [tilespmem:v1+s14+$0x0], $0xffff  }
0x188: {  	s31 =	simm.s32 $0x1;
	s25 =	simm.s32 $0x1BE00;
	v2 =	vld.idx.msk [tilespmem:v2+s14+$0x0], $0xffff  }
0x189: {  	v3 =	vmov s31;
	v4 =	vld [tilespmem:s25+$0x70]  }
0x18a: {  	v3 =	vand.u32 $0xFFFFFFFD, v3;
	v5 =	vld [tilespmem:s25+$0xFFFFFF00]  }
0x18b: {  	v3 =	vbroadcast v3, $0x0;
	v6 =	vld [tilespmem:s25+$0xFFFFFF10]  }
0x18c: {  	v7 =	vld [tilespmem:s25+$0xFFFFFF20]  }
0x18d: {  	v8 =	vld [tilespmem:s25+$0xFFFFFF30]  }
0x18e: {  	v9 =	vld [tilespmem:s25+$0xFFFFFF40]  }
0x18f: {  	v10 =	vld [tilespmem:s25+$0xFFFFFF50]  }
0x190: {  	v11 =	vld [tilespmem:s25+$0xFFFFFF60];
	v5 =	vmul.f32 v5, v1  }
0x191: {  	v3 =	vld.idx.msk [tilespmem:v3+s14+$0x0], $0xffff;
	v4 =	vmul.f32 v4, v2  }
0x192: {  	v13 =	vld [tilespmem:s25+$0x40];
	[tilespmem:s25+$0xFFFFFF00] =	vst v5;
	v5 =	vmul.f32 v6, v1  }
0x193: {  	v6 =	vld [tilespmem:s25+$0xFFFFFF70];
	[tilespmem:s25+$0x70] =	vst v4;
	v4 =	vmul.f32 v7, v1  }
0x194: {  	v7 =	vld [tilespmem:s25+$0xFFFFFF80];
	[tilespmem:s25+$0xFFFFFF10] =	vst v5;
	v5 =	vmul.f32 v8, v1  }
0x195: {  	v8 =	vld [tilespmem:s25+$0xFFFFFF90];
	[tilespmem:s25+$0xFFFFFF20] =	vst v4;
	v4 =	vmul.f32 v9, v1  }
0x196: {  	v9 =	vld [tilespmem:s25+$0xFFFFFFA0];
	[tilespmem:s25+$0xFFFFFF30] =	vst v5;
	v5 =	vmul.f32 v10, v1  }
0x197: {  	v10 =	vld [tilespmem:s25+$0xFFFFFFB0];
	[tilespmem:s25+$0xFFFFFF40] =	vst v4;
	v4 =	vmul.f32 v11, v1  }
0x198: {  	v11 =	vld [tilespmem:s25+$0xFFFFFFC0];
	v6 =	vmul.f32 v6, v1;
	[tilespmem:s25+$0xFFFFFF50] =	vst v5  }
0x199: {  	v5 =	vmul.f32 v7, v3;
	v7 =	vld [tilespmem:s25+$0xFFFFFFD0];
	[tilespmem:s25+$0xFFFFFF60] =	vst v4  }
0x19a: {  	s22 =	simm.s32 $0x3;
	v4 =	vld [tilespmem:s25+$0xFFFFFFE0];
	v8 =	vmul.f32 v8, v3;
	[tilespmem:s25+$0xFFFFFF70] =	vst v6  }
0x19b: {  	v12 =	vmov s22;
	v6 =	vld [tilespmem:s25+$0xFFFFFFF0];
	[tilespmem:s25+$0xFFFFFF80] =	vst v5;
	v5 =	vmul.f32 v9, v3  }
0x19c: {  	v9 =	vld [tilespmem:s25+$0x0];
	[tilespmem:s25+$0xFFFFFF90] =	vst v8;
	v8 =	vmul.f32 v10, v3  }
0x19d: {  	v10 =	vld [tilespmem:s25+$0x10];
	[tilespmem:s25+$0xFFFFFFA0] =	vst v5;
	v5 =	vmul.f32 v11, v3  }
0x19e: {  	[tilespmem:s25+$0xFFFFFFB0] =	vst v8;
	v7 =	vmul.f32 v7, v3;
	v8 =	vld [tilespmem:s25+$0x20]  }
0x19f: {  	v11 =	vld [tilespmem:s25+$0x30];
	v4 =	vmul.f32 v4, v3;
	[tilespmem:s25+$0xFFFFFFC0] =	vst v5  }
0x1a0: {  	v1 =	vld.idx.msk [tilespmem:v12+s14+$0x0], $0xffff;
	v3 =	vmul.f32 v6, v3;
	[tilespmem:s25+$0xFFFFFFD0] =	vst v7  }
0x1a1: {  	[tilespmem:s25+$0xFFFFFFE0] =	vst v4;
	v5 =	vmul.f32 v9, v2;
	v4 =	vld [tilespmem:s25+$0x50]  }
0x1a2: {  	s31 =	simm.s32 $0x4;
	[tilespmem:s25+$0xFFFFFFF0] =	vst v3;
	v6 =	vmul.f32 v10, v2;
	v3 =	vld [tilespmem:s25+$0x60]  }
0x1a3: {  	s22 =	simm.s32 $0x7;
	v7 =	vmov s31;
	[tilespmem:s25+$0x0] =	vst v5;
	v9 =	vmul.f32 v8, v2;
	v8 =	vld [tilespmem:s25+$0x80]  }
0x1a4: {  	s31 =	simm.s32 $0x5;
	v12 =	vand.u32 $0xFFFFFFFC, v7;
	v7 =	vld [tilespmem:s25+$0x90];
	v5 =	vmov s22;
	v10 =	vmul.f32 v11, v2;
	[tilespmem:s25+$0x10] =	vst v6  }
0x1a5: {  	s29 =	simm.s32 $0x6;
	s4 =	simm.s32 $0x8;
	v11 =	vmul.f32 v13, v2;
	s22 =	simm.s32 $0x1BE00;
	v6 =	vbroadcast v12, $0x0;
	v12 =	vmov s31;
	[tilespmem:s25+$0x20] =	vst v9;
	v9 =	vld [tilespmem:s25+$0xA0]  }
.LBB2_9:
0x1a6: {  	p1 =	slt.u32 s4, $0x7C;
	v12 =	vand.u32 $0xFFFFFFFD, v12;
	v13 =	vmov s29;
	[tilespmem:s25+$0x30] =	vst v10;
	v4 =	vmul.f32 v4, v2;
	v10 =	vld [tilespmem:s25+$0xB0]  }
0x1a7: {  	v12 =	vbroadcast v12, $0x0;
	v13 =	vand.u32 $0xFFFFFFFE, v13;
	[tilespmem:s25+$0x40] =	vst v11;
	v2 =	vmul.f32 v3, v2;
	v3 =	vld [tilespmem:s25+$0xC0]  }
0x1a8: {  	v11 =	vbroadcast v13, $0x0;
	[tilespmem:s25+$0x50] =	vst v4;
	v4 =	vmul.f32 v8, v1;
	v8 =	vld [tilespmem:s25+$0xD0]  }
0x1a9: {  	[tilespmem:s25+$0x60] =	vst v2;
	v2 =	vmul.f32 v7, v1;
	v7 =	vld [tilespmem:s25+$0xE0]  }
0x1aa: {  	[tilespmem:s25+$0x80] =	vst v4;
	v4 =	vmul.f32 v9, v1;
	v9 =	vld [tilespmem:s25+$0xF0]  }
0x1ab: {  	v5 =	vld.idx.msk [tilespmem:v5+s14+$0x0], $0xffff;
	[tilespmem:s25+$0x90] =	vst v2;
	v2 =	vmul.f32 v10, v1  }
0x1ac: {  	v6 =	vld.idx.msk [tilespmem:v6+s14+$0x0], $0xffff;
	[tilespmem:s25+$0xA0] =	vst v4;
	v3 =	vmul.f32 v3, v1  }
0x1ad: {  	v4 =	vld.idx.msk [tilespmem:v12+s14+$0x0], $0xffff;
	[tilespmem:s25+$0xB0] =	vst v2;
	v8 =	vmul.f32 v8, v1  }
0x1ae: {  	s25 =	sadd.s32 $0x200, s25;
	v2 =	vld.idx.msk [tilespmem:v11+s14+$0x0], $0xffff;
	[tilespmem:s22+$0xC0] =	vst v3;
	v3 =	vmul.f32 v7, v1  }
0x1af: {  	v7 =	vld [tilespmem:s25+$0x70];
	[tilespmem:s22+$0xD0] =	vst v8;
	v9 =	vmul.f32 v9, v1  }
0x1b0: {  	v8 =	vld [tilespmem:s25+$0xFFFFFF00];
	[tilespmem:s22+$0xE0] =	vst v3  }
0x1b1: {  	v1 =	vmov v5;
	v3 =	vld [tilespmem:s25+$0xFFFFFF10];
	[tilespmem:s22+$0xF0] =	vst v9;
	s22 =	smov.u32 s25  }
0x1b2: {  	v5 =	vld [tilespmem:s25+$0xFFFFFF20]  }
0x1b3: {  	v9 =	vld [tilespmem:s25+$0xFFFFFF30]  }
0x1b4: {  	v10 =	vld [tilespmem:s25+$0xFFFFFF40];
	v7 =	vmul.f32 v7, v2  }
0x1b5: {  	v8 =	vmul.f32 v8, v6;
	v11 =	vld [tilespmem:s25+$0xFFFFFF50]  }
0x1b6: {  	v3 =	vmul.f32 v3, v6;
	v12 =	vld [tilespmem:s25+$0xFFFFFF60];
	[tilespmem:s25+$0x70] =	vst v7  }
0x1b7: {  	[tilespmem:s25+$0xFFFFFF00] =	vst v8;
	v5 =	vmul.f32 v5, v6;
	v7 =	vld [tilespmem:s25+$0xFFFFFF70]  }
0x1b8: {  	[tilespmem:s25+$0xFFFFFF10] =	vst v3;
	v3 =	vmul.f32 v9, v6;
	v8 =	vld [tilespmem:s25+$0xFFFFFF80]  }
0x1b9: {  	[tilespmem:s25+$0xFFFFFF20] =	vst v5;
	v5 =	vmul.f32 v10, v6;
	v9 =	vld [tilespmem:s25+$0xFFFFFF90]  }
0x1ba: {  	[tilespmem:s25+$0xFFFFFF30] =	vst v3;
	v3 =	vmul.f32 v11, v6;
	v10 =	vld [tilespmem:s25+$0xFFFFFFA0]  }
0x1bb: {  	[tilespmem:s25+$0xFFFFFF40] =	vst v5;
	v5 =	vmul.f32 v12, v6;
	v11 =	vld [tilespmem:s25+$0xFFFFFFB0]  }
0x1bc: {  	[tilespmem:s25+$0xFFFFFF50] =	vst v3;
	v3 =	vmul.f32 v7, v6;
	v6 =	vld [tilespmem:s25+$0xFFFFFFC0]  }
0x1bd: {  	[tilespmem:s25+$0xFFFFFF60] =	vst v5;
	v5 =	vmul.f32 v8, v4;
	v7 =	vld [tilespmem:s25+$0xFFFFFFD0]  }
0x1be: {  	[tilespmem:s25+$0xFFFFFF70] =	vst v3;
	v3 =	vmul.f32 v9, v4;
	v8 =	vld [tilespmem:s25+$0xFFFFFFE0]  }
0x1bf: {  	[tilespmem:s25+$0xFFFFFF80] =	vst v5;
	v5 =	vmul.f32 v10, v4;
	v9 =	vld [tilespmem:s25+$0xFFFFFFF0]  }
0x1c0: {  	[tilespmem:s25+$0xFFFFFF90] =	vst v3;
	v3 =	vmul.f32 v11, v4;
	v10 =	vld [tilespmem:s25+$0x0]  }
0x1c1: {  	[tilespmem:s25+$0xFFFFFFA0] =	vst v5;
	v5 =	vmul.f32 v6, v4;
	v6 =	vld [tilespmem:s25+$0x10]  }
0x1c2: {  	[tilespmem:s25+$0xFFFFFFB0] =	vst v3;
	v3 =	vmul.f32 v7, v4;
	v7 =	vld [tilespmem:s25+$0x20]  }
0x1c3: {  	[tilespmem:s25+$0xFFFFFFC0] =	vst v5;
	v5 =	vmul.f32 v8, v4;
	v11 =	vld [tilespmem:s25+$0x30]  }
0x1c4: {  	[tilespmem:s25+$0xFFFFFFD0] =	vst v3;
	v3 =	vmul.f32 v9, v4;
	v9 =	vld [tilespmem:s25+$0x40]  }
.Ltmp3:
0x1c5: {  	[tilespmem:s25+$0xFFFFFFE0] =	vst v5;
	v5 =	vmul.f32 v10, v2;
	v4 =	vld [tilespmem:s25+$0x50];
	(pc) =	sbr.rel @p1 .LBB2_9-.Ltmp3, $4  }
0x1c6: {  	[tilespmem:s25+$0xFFFFFFF0] =	vst v3;
	v6 =	vmul.f32 v6, v2;
	v3 =	vld [tilespmem:s25+$0x60]  }
0x1c7: {  	s29 =	sadd.s32 $0x3, s4;
	v10 =	vmov s4;
	[tilespmem:s25+$0x0] =	vst v5;
	v13 =	vmul.f32 v7, v2;
	v8 =	vld [tilespmem:s25+$0x80]  }
0x1c8: {  	s31 =	sadd.s32 $0x1, s4;
	v12 =	vand.u32 $0xFFFFFFFC, v10;
	v5 =	vmov s29;
	[tilespmem:s25+$0x10] =	vst v6;
	v10 =	vmul.f32 v11, v2;
	v7 =	vld [tilespmem:s25+$0x90]  }
0x1c9: {  	s29 =	sadd.s32 $0x2, s4;
	s4 =	sadd.s32 $0x4, s4;
	v6 =	vbroadcast v12, $0x0;
	v12 =	vmov s31;
	[tilespmem:s25+$0x20] =	vst v13;
	v11 =	vmul.f32 v9, v2;
	v9 =	vld [tilespmem:s25+$0xA0]  }
0x1ca: {  	v13 =	vld [tilespmem:s25+$0xB0]  }
0x1cb: {  	v15 =	vld [tilespmem:s25+$0xC0]  }
0x1cc: {  	v16 =	vld [tilespmem:s25+$0xD0]  }
0x1cd: {  	v17 =	vld [tilespmem:s25+$0xE0]  }
0x1ce: {  	v29 =	vld [tilespmem:s25+$0xF0];
	[tilespmem:s25+$0x30] =	vst v10;
	v4 =	vmul.f32 v4, v2  }
0x1cf: {  	v5 =	vld.idx.msk [tilespmem:v5+s14+$0x0], $0xffff;
	[tilespmem:s25+$0x40] =	vst v11;
	v2 =	vmul.f32 v3, v2  }
0x1d0: {  	s4 =	sadd.s32 $0x200, s25;
	v3 =	vld.idx.msk [tilespmem:v6+s14+$0x0], $0xffff;
	v8 =	vmul.f32 v8, v1;
	[tilespmem:s25+$0x50] =	vst v4  }
0x1d1: {  	v14 =	vmov s29;
	v34 =	vld [tilespmem:s4+$0x70];
	v30 =	vmul.f32 v7, v1;
	[tilespmem:s25+$0x60] =	vst v2  }
0x1d2: {  	v14 =	vand.u32 $0xFFFFFFFE, v14;
	v35 =	vld [tilespmem:s4+$0xFFFFFF00];
	[tilespmem:s25+$0x80] =	vst v8;
	v2 =	vmul.f32 v9, v1  }
0x1d3: {  	v37 =	vld [tilespmem:s4+$0xFFFFFF10];
	v14 =	vbroadcast v14, $0x0;
	[tilespmem:s25+$0x90] =	vst v30;
	v33 =	vmul.f32 v13, v1  }
0x1d4: {  	v38 =	vld [tilespmem:s4+$0xFFFFFF20];
	[tilespmem:s25+$0xA0] =	vst v2;
	v2 =	vmul.f32 v15, v1  }
0x1d5: {  	v12 =	vand.u32 $0xFFFFFFFD, v12;
	v39 =	vld [tilespmem:s4+$0xFFFFFF30];
	v36 =	vmul.f32 v16, v1;
	[tilespmem:s25+$0xB0] =	vst v33  }
0x1d6: {  	v12 =	vbroadcast v12, $0x0;
	v41 =	vld [tilespmem:s4+$0xFFFFFF50];
	[tilespmem:s22+$0xC0] =	vst v2;
	v2 =	vmul.f32 v17, v1  }
0x1d7: {  	v43 =	vld [tilespmem:s4+$0xFFFFFF60];
	[tilespmem:s22+$0xD0] =	vst v36;
	v1 =	vmul.f32 v29, v1  }
0x1d8: {  	v42 =	vmul.f32 v37, v3;
	[tilespmem:s22+$0xE0] =	vst v2;
	v2 =	vld [tilespmem:s4+$0xFFFFFF40]  }
0x1d9: {  	v32 =	vld.idx.msk [tilespmem:v14+s14+$0x0], $0xffff;
	[tilespmem:s22+$0xF0] =	vst v1;
	v1 =	vmul.f32 v35, v3  }
0x1da: {  	v44 =	vld [tilespmem:s4+$0xFFFFFF70];
	v4 =	vmul.f32 v39, v3;
	[tilespmem:s4+$0xFFFFFF10] =	vst v42  }
0x1db: {  	v45 =	vld [tilespmem:s4+$0xFFFFFF80];
	[tilespmem:s4+$0xFFFFFF00] =	vst v1;
	v1 =	vmul.f32 v38, v3  }
0x1dc: {  	v46 =	vmul.f32 v41, v3;
	v31 =	vld.idx.msk [tilespmem:v12+s14+$0x0], $0xffff;
	[tilespmem:s4+$0xFFFFFF30] =	vst v4  }
0x1dd: {  	[tilespmem:s4+$0xFFFFFF20] =	vst v1;
	v1 =	vmul.f32 v2, v3;
	v2 =	vld [tilespmem:s4+$0xFFFFFF90]  }
0x1de: {  	v47 =	vld [tilespmem:s4+$0xFFFFFFA0];
	[tilespmem:s4+$0xFFFFFF50] =	vst v46;
	v40 =	vmul.f32 v34, v32  }
0x1df: {  	v48 =	vld [tilespmem:s4+$0xFFFFFFB0];
	[tilespmem:s4+$0xFFFFFF40] =	vst v1;
	v1 =	vmul.f32 v43, v3  }
0x1e0: {  	v49 =	vld [tilespmem:s4+$0xFFFFFFC0];
	[tilespmem:s4+$0x70] =	vst v40;
	v3 =	vmul.f32 v44, v3  }
0x1e1: {  	v50 =	vld [tilespmem:s4+$0xFFFFFFD0];
	[tilespmem:s4+$0xFFFFFF60] =	vst v1;
	v1 =	vmul.f32 v45, v31  }
0x1e2: {  	[tilespmem:s4+$0xFFFFFF70] =	vst v3;
	v3 =	vld [tilespmem:s4+$0xFFFFFFE0];
	v2 =	vmul.f32 v2, v31  }
0x1e3: {  	v51 =	vld [tilespmem:s4+$0xFFFFFFF0];
	[tilespmem:s4+$0xFFFFFF80] =	vst v1;
	v1 =	vmul.f32 v47, v31  }
0x1e4: {  	v52 =	vld [tilespmem:s4+$0x0];
	[tilespmem:s4+$0xFFFFFF90] =	vst v2;
	v2 =	vmul.f32 v48, v31  }
0x1e5: {  	v53 =	vld [tilespmem:s4+$0x10];
	[tilespmem:s4+$0xFFFFFFA0] =	vst v1;
	v1 =	vmul.f32 v49, v31  }
0x1e6: {  	v54 =	vld [tilespmem:s4+$0x20];
	[tilespmem:s4+$0xFFFFFFB0] =	vst v2;
	v2 =	vmul.f32 v50, v31  }
0x1e7: {  	[tilespmem:s4+$0xFFFFFFC0] =	vst v1;
	v1 =	vmul.f32 v3, v31;
	v3 =	vld [tilespmem:s4+$0x30]  }
0x1e8: {  	v55 =	vld [tilespmem:s4+$0x40];
	[tilespmem:s4+$0xFFFFFFD0] =	vst v2;
	v2 =	vmul.f32 v51, v31  }
0x1e9: {  	v56 =	vld [tilespmem:s4+$0x50];
	[tilespmem:s4+$0xFFFFFFE0] =	vst v1;
	v1 =	vmul.f32 v52, v32  }
0x1ea: {  	v57 =	vld [tilespmem:s4+$0x60];
	[tilespmem:s4+$0xFFFFFFF0] =	vst v2;
	v2 =	vmul.f32 v53, v32  }
0x1eb: {  	v58 =	vld [tilespmem:s4+$0x80];
	[tilespmem:s4+$0x0] =	vst v1;
	v1 =	vmul.f32 v54, v32  }
0x1ec: {  	[tilespmem:s4+$0x10] =	vst v2;
	v2 =	vmul.f32 v3, v32;
	v3 =	vld [tilespmem:s4+$0x90]  }
0x1ed: {  	v59 =	vld [tilespmem:s4+$0xA0];
	[tilespmem:s4+$0x20] =	vst v1;
	v1 =	vmul.f32 v55, v32  }
0x1ee: {  	v60 =	vld [tilespmem:s4+$0xB0];
	[tilespmem:s4+$0x30] =	vst v2;
	v2 =	vmul.f32 v56, v32  }
0x1ef: {  	v61 =	vld [tilespmem:s4+$0xC0];
	[tilespmem:s4+$0x40] =	vst v1;
	v1 =	vmul.f32 v57, v32  }
0x1f0: {  	v62 =	vld [tilespmem:s4+$0xD0];
	[tilespmem:s4+$0x50] =	vst v2;
	v2 =	vmul.f32 v58, v5  }
0x1f1: {  	[tilespmem:s4+$0x60] =	vst v1;
	v1 =	vmul.f32 v3, v5;
	v3 =	vld [tilespmem:s4+$0xE0]  }
0x1f2: {  	v63 =	vld [tilespmem:s4+$0xF0];
	[tilespmem:s4+$0x80] =	vst v2;
	v2 =	vmul.f32 v59, v5  }
0x1f3: {  	[tilespmem:s4+$0x90] =	vst v1;
	v1 =	vmul.f32 v60, v5  }
0x1f4: {  	s24 =	sadd.s32 $0x1, s24;
	[tilespmem:s4+$0xA0] =	vst v2;
	v2 =	vmul.f32 v61, v5  }
0x1f5: {  	p1 =	sne.s32 s24, $0x1B;
	[tilespmem:s4+$0xB0] =	vst v1;
	v1 =	vmul.f32 v62, v5  }
.Ltmp4:
0x1f6: {  	[tilespmem:s4+$0xC0] =	vst v2;
	v2 =	vmul.f32 v3, v5;
	(pc) =	sbr.rel @p1 .LBB2_4-.Ltmp4, $4  }
0x1f7: {  	[tilespmem:s4+$0xD0] =	vst v1;
	v1 =	vmul.f32 v63, v5  }
0x1f8: {  	[tilespmem:s4+$0xE0] =	vst v2  }
0x1f9: {  	[tilespmem:s4+$0xF0] =	vst v1  }
0x1fa: {  	[spmem:s6] =	stream.indirect.scatter.add.f32 [tilespmem:s12], [sflag:$0x6], $0x80, s13, s30, $0xb8;
	[tilespmem:$0x1FD00] =	vst v63  }
0x1fb: {  	s4 =	simm.s32 $0x4  }
0x1fc: {  	_ =	swait.ge [sflag:s4], $0x4000  }
0x1fd: {  	[sflag:s4] =	ssyncset.done $0x0  }
0x1fe: {  	s24 =	simm.s32 $0x5;
	[sflag:s4] =	ssyncadd.s32 $0xFFFFC000  }
0x1ff: {  	_ =	swait.ge [sflag:s24], $0x4000  }
0x200: {  	[sflag:s24] =	ssyncset.done $0x0  }
0x201: {  	s25 =	simm.s32 $0x6;
	[sflag:s24] =	ssyncadd.s32 $0xFFFFC000  }
0x202: {  	_ =	swait.ge [sflag:s25], $0x4000  }
0x203: {  	[sflag:s25] =	ssyncset.done $0x0  }
0x204: {  	[sflag:s25] =	ssyncadd.s32 $0xFFFFC000  }
0x205: {  	s22 =	stileid.u32;
	[bflag:$0x0] =	sbarrier.arrive $0xFFFF  }
0x206: {  	s4 =	sshll.u32 s22, $0x6;
	s24 =	rddreg [dreg:$0x10]  }
0x207: {  	s4 =	sor.u32 $0x1C0A, s4;
	s23 =	rddreg [dreg:$0x7];
	s22 =	sshrl.u32 s24, $0x3  }
0x208: {  	[hbm:s23], [sflag:s4] =	dma.local [spmem:s22], $0x500  }
0x209: {  	_ =	swait.ge [sflag:s28], $0x500  }
0x20a: {  	[sflag:s28] =	ssyncset.done $0x0;
	s25 =	rddreg [dreg:$0x11]  }
0x20b: {  	s23 =	rddreg [dreg:$0x8];
	[sflag:s28] =	ssyncadd.s32 $0xFFFFFB00;
	s22 =	sshrl.u32 s25, $0x3  }
0x20c: {  	[hbm:s23], [sflag:s4] =	dma.local [spmem:s22], $0x500  }
0x20d: {  	_ =	swait.ge [sflag:s28], $0x500  }
0x20e: {  	[sflag:s28] =	ssyncset.done $0x0;
	s29 =	rddreg [dreg:$0x12]  }
0x20f: {  	s23 =	rddreg [dreg:$0x9];
	[sflag:s28] =	ssyncadd.s32 $0xFFFFFB00;
	s22 =	sshrl.u32 s29, $0x3  }
0x210: {  	[hbm:s23], [sflag:s4] =	dma.local [spmem:s22], $0x500  }
0x211: {  	_ =	swait.ge [sflag:s28], $0x500  }
0x212: {  	[sflag:s28] =	ssyncset.done $0x0;
	s31 =	rddreg [dreg:$0x13]  }
0x213: {  	s23 =	rddreg [dreg:$0xa];
	[sflag:s28] =	ssyncadd.s32 $0xFFFFFB00;
	s22 =	sshrl.u32 s31, $0x3  }
0x214: {  	[hbm:s23], [sflag:s4] =	dma.local [spmem:s22], $0x500  }
0x215: {  	_ =	swait.ge [sflag:s28], $0x500  }
0x216: {  	[sflag:s28] =	ssyncset.done $0x0;
	s23 =	rddreg [dreg:$0x14]  }
0x217: {  	[sflag:s28] =	ssyncadd.s32 $0xFFFFFB00;
	s22 =	sshrl.u32 s23, $0x3;
	s23 =	rddreg [dreg:$0xb]  }
0x218: {  	[hbm:s23], [sflag:s4] =	dma.local [spmem:s22], $0x500  }
0x219: {  	_ =	swait.ge [sflag:s28], $0x500  }
0x21a: {  	[sflag:s28] =	ssyncset.done $0x0;
	s23 =	rddreg [dreg:$0x15]  }
0x21b: {  	[sflag:s28] =	ssyncadd.s32 $0xFFFFFB00;
	s22 =	sshrl.u32 s23, $0x3;
	s23 =	rddreg [dreg:$0xc]  }
0x21c: {  	[hbm:s23], [sflag:s4] =	dma.local [spmem:s22], $0x500  }
0x21d: {  	_ =	swait.ge [sflag:s28], $0x500  }
0x21e: {  	[sflag:s28] =	ssyncset.done $0x0;
	s23 =	rddreg [dreg:$0x16]  }
0x21f: {  	[sflag:s28] =	ssyncadd.s32 $0xFFFFFB00;
	s22 =	sshrl.u32 s23, $0x3;
	s23 =	rddreg [dreg:$0xd]  }
0x220: {  	[hbm:s23], [sflag:s4] =	dma.local [spmem:s22], $0x500  }
0x221: {  	_ =	swait.ge [sflag:s28], $0x500  }
0x222: {  	[sflag:s28] =	ssyncset.done $0x0;
	s22 =	rddreg [dreg:$0x17]  }
0x223: {  	s23 =	rddreg [dreg:$0xe];
	[sflag:s28] =	ssyncadd.s32 $0xFFFFFB00;
	s22 =	sshrl.u32 @!p0 s22, $0x3  }
0x224: {  	[hbm:s23], [sflag:s4] =	dma.local @!p0 [spmem:s22], $0x500  }
0x225: {  	s4 =	simm.s32 @!p0 $0xA  }
0x226: {  	_ =	swait.ge @!p0 [sflag:s4], $0x500  }
0x227: {  	s22 =	rddreg [dreg:$0x18]  }
0x228: {  	s23 =	sadd.s32 $0x1, s22;
	s22 =	rddreg [dreg:$0xf]  }
0x229: {  	p1 =	sne.s32 s23, s22  }
.Ltmp5:
0x22a: {  	_ = 	snop;
	(pc) =	sbr.rel @p1 .LBB2_1-.Ltmp5, $3  }
0x22b: {  	_ =	sdelay $0x1  }
0x22c: {  	[sflag:s4] =	ssyncset.done @!p0 $0x0  }
0x22d: {  	[sflag:s4] =	ssyncadd.s32 @!p0 $0xFFFFFB00  }
0x22e: {  	_ =	sfence.sel $0x180000  }
0x22f: {  	[bflag:$0x0] =	sbarrier.arrive $0xFFFF  }
0x230: {  	_ =	strace $0x90000047  }
0x231: {  	s0 =	stileid.u32;
	[bflag:$0x2] =	sbarrier.arrive $0xFFFF  }
0x232: {  	p0 =	sne.s32 s0, $0x0;
	s0 =	rddreg [dreg:$0x5]  }
0x233: {  	s0 =	sadd.s32 @!p0 $0x100000, s0  }
0x234: {  	[sflag:s0] =	ssyncadd.tile.s32 @!p0 $0x1;
	_ =	shalt  }
.Lfunc_end2:
_tile_overlayer_lowered:
.L_overlay_start_2:
0x235: {  	(tag) =	ssettag $0x2  }
0x236: {  	s0 =	rddreg [dreg:$0x0];
	s2 =	stileid.u32  }
0x237: {  	s1 =	rddreg [dreg:$0x1];
	p0 =	sne.s32 s2, $0x0  }
0x238: {  	s3 =	rddreg [dreg:$0x2];
	[bflag:$0x3] =	sbarrier.arrive $0xFFFF;
	s2 =	simm.s32 @!p0 $0x1C0A  }
0x239: {  	[timem:s3], [sflag:s2] =	dma.local @!p0 [hbm:s0], s1  }
0x23a: {  	s0 =	simm.s32 @!p0 $0xA  }
0x23b: {  	_ =	swait.ge @!p0 [sflag:s0], s1  }
0x23c: {  	s1 =	ssub.s32 @!p0 $0x0, s1;
	[sflag:s0] =	ssyncset.done @!p0 $0x0  }
0x23d: {  	[sflag:s0] =	ssyncadd.s32 @!p0 s1  }
0x23e: {  	[bflag:$0x3] =	sbarrier.arrive $0xFFFF  }
0x23f: {  	_ =	shalt  }

</sc_bundles>
